<compile_context>
chip_gen: v7x
topology: tpu7x:2x2x1
jax: 0.10.2.dev20260603
libtpu: 0.0.44.dev20260713+nightly
codegen_flags: <defaults>
</compile_context>

<pallas_src>
import functools

import jax
import jax.numpy as jnp
from jax.experimental import pallas as pl
from jax.experimental.pallas import tpu as pltpu
from jax.experimental.pallas import tpu_sc as plsc

_M = 16384
_K = 256
_N = 8192
_BM = 256
_GW = 128


def _dist_argmin_body(z_ref, w_ref, idx_ref, wn_ref, w16_ref):
    @pl.when(pl.program_id(0) == 0)
    def _():
        wb = w_ref[...]
        wn_ref[...] = jnp.sum(wb * wb, axis=1, keepdims=True)
        w16_ref[...] = wb.astype(jnp.bfloat16)

    zb = z_ref[...]
    zm2 = (-2.0 * zb).astype(jnp.bfloat16)
    mm2 = jax.lax.dot_general(
        w16_ref[...], zm2, (((1,), (1,)), ((), ())),
        preferred_element_type=jnp.float32)
    zn = jnp.transpose(jnp.sum(zb * zb, axis=1, keepdims=True))

    _C = 64
    bestv = None
    for c in range(_N // _C):
        d = (zn + mm2[c * _C:(c + 1) * _C, :]) + wn_ref[c * _C:(c + 1) * _C, :]
        if bestv is None:
            bestv = d
            bestr = jnp.zeros((_C, _BM), jnp.int32)
        else:
            m = d < bestv
            bestv = jnp.where(m, d, bestv)
            bestr = jnp.where(m, c, bestr)

    dmin = jnp.min(bestv, axis=0, keepdims=True)
    srow = jax.lax.broadcasted_iota(jnp.int32, (_C, _BM), 0)
    n_mat = bestr * _C + srow
    idx_ref[0, 0, :] = jnp.min(
        jnp.where(bestv == dmin, n_mat, _N), axis=0)


def _encode(z, weight):
    idx3 = pl.pallas_call(
        _dist_argmin_body,
        grid=(_M // _BM,),
        in_specs=[
            pl.BlockSpec((_BM, _K), lambda i: (i, 0)),
            pl.BlockSpec((_N, _K), lambda i: (0, 0)),
        ],
        out_specs=pl.BlockSpec((1, 1, _BM), lambda i: (i, 0, 0)),
        out_shape=jax.ShapeDtypeStruct((_M // _BM, 1, _BM), jnp.int32),
        scratch_shapes=[
            pltpu.VMEM((_N, 1), jnp.float32),
            pltpu.VMEM((_N, _K), jnp.bfloat16),
        ],
    )(z, weight)
    return idx3.reshape(_M)


def _gather_rows(weight, indices):
    idx2 = indices.reshape(1, _M)
    mesh = plsc.VectorSubcoreMesh(
        core_axis_name="core", subcore_axis_name="subcore")

    @functools.partial(
        pl.kernel,
        out_type=jax.ShapeDtypeStruct((_M, _K), jnp.float32),
        mesh=mesh)
    def _kern(w_hbm, i_hbm, o_hbm):
        def body(i_vmem, o_vmem):
            pltpu.sync_copy(w_hbm.at[i_vmem.at[0]], o_vmem)

        pltpu.emit_pipeline(
            body,
            grid=(_M // _GW,),
            in_specs=[pl.BlockSpec((1, _GW), index_map=lambda i: (0, i))],
            out_specs=[pl.BlockSpec((_GW, _K), index_map=lambda i: (i, 0))],
            core_axis_name=("core", "subcore"),
            dimension_semantics=(pltpu.PARALLEL,),
        )(i_hbm, o_hbm)

    return _kern(weight, idx2)


def kernel(z, weight):
    flat = z.reshape(-1, _K)
    encoding_indices = _encode(flat, weight)
    quantized = _gather_rows(weight, encoding_indices)
    return quantized, encoding_indices

# --- scband reference (transcript-rebuilt; emitter-appended) ---
"""Pipeline reference for scband-quantize-61443802136632 (READ-ONLY COPY).

The authoritative reference and input builder live on the scoring server;
editing this copy changes nothing except your own understanding.
"""

import jax, jax.numpy as jnp
import numpy as np

SIZE = 8192
CODE_DIM = 256
N_TOK = 16384


def setup_inputs(seed: int = 0) -> dict:
    key = jax.random.key(seed)
    k1, k2 = jax.random.split(key)
    z = jax.random.normal(k1, (N_TOK, CODE_DIM), dtype=jnp.float32)
    # nn.Embedding weight initialized uniform(-1/size, 1/size)
    weight = jax.random.uniform(k2, (SIZE, CODE_DIM), minval=-1.0 / SIZE, maxval=1.0 / SIZE, dtype=jnp.float32)
    return {"z": z, "weight": weight}


def reference(z, weight):
    flat_inputs = z.reshape(-1, CODE_DIM)
    distances = (
        jnp.sum(flat_inputs ** 2, axis=1, keepdims=True)
        - 2.0 * flat_inputs @ weight.T
        + jnp.sum(weight.T ** 2, axis=0, keepdims=True)
    )
    encoding_indices = jnp.argmax(-distances, axis=1)
    quantized = jnp.take(weight, encoding_indices, axis=0)
    return quantized, encoding_indices

if __name__ == "__main__":
    import jax
    _d = setup_inputs()
    print(jax.jit(kernel)(*tuple(_d.values())))

</pallas_src>

<mosaic_0001>
#map = affine_map<(d0, d1) -> (0, 0)>
module attributes {stable_mosaic.version = 14 : i64} {
  func.func @_kern(%arg0: i32, %arg1: i32, %arg2: memref<8192x256xf32, #tpu.memory_space<hbm>>, %arg3: memref<1x16384xi32, #tpu.memory_space<hbm>>, %arg4: memref<16384x256xf32, #tpu.memory_space<hbm>>) attributes {dimension_semantics = [#tpu.dimension_semantics<core_parallel>, #tpu.dimension_semantics<subcore_parallel>], iteration_bounds = array<i64: 2, 16>, scalar_prefetch = 0 : i64, scratch_operands = 0 : i64, tpu.core_type = #tpu.core_type<sc_vector_subcore>, window_params = [{transform_indices = #map}, {transform_indices = #map}, {transform_indices = #map}]} {
    %mul3A = arith.constant 1 : i32
    %mul3A_0 = arith.muli %arg1, %mul3A : i32
    %add3A = arith.constant 0 : i32
    %add3A_1 = arith.addi %add3A, %mul3A_0 : i32
    %mul3A_2 = arith.constant 16 : i32
    %mul3A_3 = arith.muli %arg0, %mul3A_2 : i32
    %add3A_4 = arith.addi %add3A_1, %mul3A_3 : i32
    %mul3A_5 = arith.constant 4 : i32
    %mul3A_6 = arith.muli %add3A_4, %mul3A_5 : i32
    "tpu.region"() ({
      %run_scoped3A = memref.alloca() : memref<2x1x128xi32, #tpu.memory_space<vmem>>
      %run_scoped3A_7 = tpu.sem_alloc : memref<2x!tpu.dma_semaphore, #tpu.memory_space<semaphore_mem>>
      %run_scoped3A_8 = memref.alloca() : memref<2x128x256xf32, #tpu.memory_space<vmem>>
      %run_scoped3A_9 = tpu.sem_alloc : memref<2x!tpu.dma_semaphore, #tpu.memory_space<semaphore_mem>>
      %add3A_10 = arith.constant 0 : i32
      %add3A_11 = arith.addi %add3A_10, %mul3A_6 : i32
      %select_n3A = arith.constant true
      %select_n3A_12 = arith.constant 0 : i32
      %select_n3A_13 = arith.constant -1 : i32
      %select_n3A_14 = arith.select %select_n3A, %select_n3A_13, %select_n3A_12 : i32
      %eq3A = arith.constant -1 : i32
      %eq3A_15 = arith.cmpi eq, %select_n3A_14, %eq3A : i32
      %select_n3A_16 = arith.constant 3 : i32
      %select_n3A_17 = arith.select %eq3A_15, %select_n3A_16, %select_n3A_14 : i32
      %add3A_18 = arith.addi %select_n3A_17, %mul3A_6 : i32
      %select_n3A_19 = arith.constant true
      %select_n3A_20 = arith.constant 0 : i32
      %select_n3A_21 = arith.constant 1 : i32
      %select_n3A_22 = arith.select %select_n3A_19, %select_n3A_21, %select_n3A_20 : i32
      %eq3A_23 = arith.constant 4 : i32
      %eq3A_24 = arith.cmpi eq, %select_n3A_22, %eq3A_23 : i32
      %select_n3A_25 = arith.constant 0 : i32
      %select_n3A_26 = arith.select %eq3A_24, %select_n3A_25, %select_n3A_22 : i32
      %add3A_27 = arith.addi %select_n3A_26, %mul3A_6 : i32
      %add3A_28 = arith.constant 1 : i32
      %add3A_29 = arith.addi %select_n3A_26, %add3A_28 : i32
      %select_n3A_30 = arith.constant true
      %select_n3A_31 = arith.select %select_n3A_30, %add3A_29, %select_n3A_26 : i32
      %eq3A_32 = arith.constant 4 : i32
      %eq3A_33 = arith.cmpi eq, %select_n3A_31, %eq3A_32 : i32
      %select_n3A_34 = arith.constant 0 : i32
      %select_n3A_35 = arith.select %eq3A_33, %select_n3A_34, %select_n3A_31 : i32
      %add3A_36 = arith.addi %select_n3A_35, %mul3A_6 : i32
      "tpu.trace_start"() <{level = 10 : i32, message = "ep_initialize_0"}> : () -> ()
      %rem3A = arith.constant 0 : i32
      %rem3A_37 = arith.constant 2 : i32
      %rem3A_38 = arith.remui %rem3A, %rem3A_37 : i32
      %mul3A_39 = arith.constant 128 : i32
      %mul3A_40 = arith.muli %mul3A_39, %add3A_11 : i32
      %dma_start3A = arith.constant 0 : i32
      %dma_start3A_41 = arith.constant 0 : i32
      %dma_start3A_42 = tpu.memref_slice %run_scoped3A[%rem3A_38, %dma_start3A, %dma_start3A_41] : memref<2x1x128xi32, #tpu.memory_space<vmem>> -> memref<1x1x128xi32, #tpu.memory_space<vmem>>
      %dma_start3A_43 = tpu.memref_squeeze %dma_start3A_42 : memref<1x1x128xi32, #tpu.memory_space<vmem>> -> memref<1x128xi32, #tpu.memory_space<vmem>>
      %dma_start3A_44 = arith.constant 0 : i32
      %dma_start3A_45 = tpu.memref_slice %arg3[%dma_start3A_44, %mul3A_40] : memref<1x16384xi32, #tpu.memory_space<hbm>> -> memref<1x128xi32, #tpu.memory_space<hbm>>
      %dma_start3A_46 = tpu.memref_slice %run_scoped3A_7[%rem3A_38] : memref<2x!tpu.dma_semaphore, #tpu.memory_space<semaphore_mem>> -> memref<1x!tpu.dma_semaphore, #tpu.memory_space<semaphore_mem>>
      %dma_start3A_47 = tpu.memref_squeeze %dma_start3A_46 : memref<1x!tpu.dma_semaphore, #tpu.memory_space<semaphore_mem>> -> memref<!tpu.dma_semaphore, #tpu.memory_space<semaphore_mem>>
      %dma_start3A_48 = arith.constant 0 : i32
      %dma_start3A_49 = arith.constant 0 : i32
      %dma_start3A_50 = tpu.memref_slice %run_scoped3A[%rem3A_38, %dma_start3A_48, %dma_start3A_49] : memref<2x1x128xi32, #tpu.memory_space<vmem>> -> memref<1x1x128xi32, #tpu.memory_space<vmem>>
      %dma_start3A_51 = tpu.memref_squeeze %dma_start3A_50 : memref<1x1x128xi32, #tpu.memory_space<vmem>> -> memref<1x128xi32, #tpu.memory_space<vmem>>
      %dma_start3A_52 = arith.constant 0 : i32
      %dma_start3A_53 = tpu.memref_slice %arg3[%dma_start3A_52, %mul3A_40] : memref<1x16384xi32, #tpu.memory_space<hbm>> -> memref<1x128xi32, #tpu.memory_space<hbm>>
      tpu.enqueue_dma source(%dma_start3A_53 : memref<1x128xi32, #tpu.memory_space<hbm>>) target(%dma_start3A_51 : memref<1x128xi32, #tpu.memory_space<vmem>>) target_semaphore(%dma_start3A_47 : memref<!tpu.dma_semaphore, #tpu.memory_space<semaphore_mem>>)
      %add3A_54 = arith.constant 0 : i32
      %add3A_55 = arith.constant 1 : i32
      %add3A_56 = arith.addi %add3A_54, %add3A_55 : i32
      %select_n3A_57 = arith.constant true
      %select_n3A_58 = arith.constant 0 : i32
      %select_n3A_59 = arith.select %select_n3A_57, %add3A_56, %select_n3A_58 : i32
      "tpu.trace_stop"() : () -> ()
      %scan3A = arith.constant 0 : i32
      %scan3A_60 = arith.constant 0 : i32
      %scan3A_61 = arith.constant 0 : i32
      %scan3A_62 = arith.constant 0 : i32
      %scan3A_63 = arith.constant 0 : i32
      %scan3A_64 = arith.constant 4 : i32
      %scan3A_65 = arith.addi %scan3A_63, %scan3A_64 : i32
      %scan3A_66 = arith.constant 1 : i32
      %scan3A_67:5 = scf.for %scan3A_121 = %scan3A_63 to %scan3A_65 step %scan3A_66 iter_args(%scan3A_122 = %select_n3A_59, %scan3A_123 = %scan3A, %scan3A_124 = %scan3A_60, %scan3A_125 = %scan3A_61, %scan3A_126 = %scan3A_62) -> (i32, i32, i32, i32, i32)  : i32 {
        %eq3A_127 = arith.constant 0 : i32
        %eq3A_128 = arith.cmpi eq, %scan3A_121, %eq3A_127 : i32
        %eq3A_129 = arith.constant 3 : i32
        %eq3A_130 = arith.cmpi eq, %scan3A_121, %eq3A_129 : i32
        %add3A_131 = arith.addi %scan3A_126, %mul3A_6 : i32
        %sub3A_132 = arith.constant 1 : i32
        %sub3A_133 = arith.subi %scan3A_126, %sub3A_132 : i32
        %select_n3A_134 = arith.constant true
        %select_n3A_135 = arith.select %select_n3A_134, %sub3A_133, %scan3A_126 : i32
        %eq3A_136 = arith.constant -1 : i32
        %eq3A_137 = arith.cmpi eq, %select_n3A_135, %eq3A_136 : i32
        %select_n3A_138 = arith.constant 3 : i32
        %select_n3A_139 = arith.select %eq3A_137, %select_n3A_138, %select_n3A_135 : i32
        %add3A_140 = arith.addi %select_n3A_139, %mul3A_6 : i32
        %add3A_141 = arith.constant 1 : i32
        %add3A_142 = arith.addi %scan3A_126, %add3A_141 : i32
        %select_n3A_143 = arith.constant true
        %select_n3A_144 = arith.select %select_n3A_143, %add3A_142, %scan3A_126 : i32
        %eq3A_145 = arith.constant 4 : i32
        %eq3A_146 = arith.cmpi eq, %select_n3A_144, %eq3A_145 : i32
        %select_n3A_147 = arith.constant 0 : i32
        %select_n3A_148 = arith.select %eq3A_146, %select_n3A_147, %select_n3A_144 : i32
        %add3A_149 = arith.addi %select_n3A_148, %mul3A_6 : i32
        %add3A_150 = arith.constant 1 : i32
        %add3A_151 = arith.addi %select_n3A_148, %add3A_150 : i32
        %select_n3A_152 = arith.constant true
        %select_n3A_153 = arith.select %select_n3A_152, %add3A_151, %select_n3A_148 : i32
        %eq3A_154 = arith.constant 4 : i32
        %eq3A_155 = arith.cmpi eq, %select_n3A_153, %eq3A_154 : i32
        %select_n3A_156 = arith.constant 0 : i32
        %select_n3A_157 = arith.select %eq3A_155, %select_n3A_156, %select_n3A_153 : i32
        %add3A_158 = arith.addi %select_n3A_157, %mul3A_6 : i32
        %ne3A = arith.cmpi ne, %add3A_131, %add3A_149 : i32
        %or3A = arith.constant false
        %or3A_159 = arith.ori %or3A, %ne3A : i1
        %ge3A = arith.constant 3 : i32
        %ge3A_160 = arith.cmpi sge, %scan3A_121, %ge3A : i32
        %not3A = arith.constant true
        %not3A_161 = arith.xori %ge3A_160, %not3A : i1
        %and3A = arith.andi %or3A_159, %not3A_161 : i1
        %convert_element_type3A = arith.extui %and3A : i1 to i32
        %cond3A = arith.constant 0 : i32
        %cond3A_162 = arith.cmpi ne, %convert_element_type3A, %cond3A : i32
        scf.if %cond3A_162 {
          "tpu.trace_start"() <{level = 10 : i32, message = "ep_copy_in"}> : () -> ()
          %rem3A_264 = arith.constant 2 : i32
          %rem3A_265 = arith.remui %scan3A_122, %rem3A_264 : i32
          %mul3A_266 = arith.constant 128 : i32
          %mul3A_267 = arith.muli %mul3A_266, %add3A_149 : i32
          %dma_start3A_268 = arith.constant 0 : i32
          %dma_start3A_269 = arith.constant 0 : i32
          %dma_start3A_270 = tpu.memref_slice %run_scoped3A[%rem3A_265, %dma_start3A_268, %dma_start3A_269] : memref<2x1x128xi32, #tpu.memory_space<vmem>> -> memref<1x1x128xi32, #tpu.memory_space<vmem>>
          %dma_start3A_271 = tpu.memref_squeeze %dma_start3A_270 : memref<1x1x128xi32, #tpu.memory_space<vmem>> -> memref<1x128xi32, #tpu.memory_space<vmem>>
          %dma_start3A_272 = arith.constant 0 : i32
          %dma_start3A_273 = tpu.memref_slice %arg3[%dma_start3A_272, %mul3A_267] : memref<1x16384xi32, #tpu.memory_space<hbm>> -> memref<1x128xi32, #tpu.memory_space<hbm>>
          %dma_start3A_274 = tpu.memref_slice %run_scoped3A_7[%rem3A_265] : memref<2x!tpu.dma_semaphore, #tpu.memory_space<semaphore_mem>> -> memref<1x!tpu.dma_semaphore, #tpu.memory_space<semaphore_mem>>
          %dma_start3A_275 = tpu.memref_squeeze %dma_start3A_274 : memref<1x!tpu.dma_semaphore, #tpu.memory_space<semaphore_mem>> -> memref<!tpu.dma_semaphore, #tpu.memory_space<semaphore_mem>>
          %dma_start3A_276 = arith.constant 0 : i32
          %dma_start3A_277 = arith.constant 0 : i32
          %dma_start3A_278 = tpu.memref_slice %run_scoped3A[%rem3A_265, %dma_start3A_276, %dma_start3A_277] : memref<2x1x128xi32, #tpu.memory_space<vmem>> -> memref<1x1x128xi32, #tpu.memory_space<vmem>>
          %dma_start3A_279 = tpu.memref_squeeze %dma_start3A_278 : memref<1x1x128xi32, #tpu.memory_space<vmem>> -> memref<1x128xi32, #tpu.memory_space<vmem>>
          %dma_start3A_280 = arith.constant 0 : i32
          %dma_start3A_281 = tpu.memref_slice %arg3[%dma_start3A_280, %mul3A_267] : memref<1x16384xi32, #tpu.memory_space<hbm>> -> memref<1x128xi32, #tpu.memory_space<hbm>>
          tpu.enqueue_dma source(%dma_start3A_281 : memref<1x128xi32, #tpu.memory_space<hbm>>) target(%dma_start3A_279 : memref<1x128xi32, #tpu.memory_space<vmem>>) target_semaphore(%dma_start3A_275 : memref<!tpu.dma_semaphore, #tpu.memory_space<semaphore_mem>>)
          "tpu.trace_stop"() : () -> ()
        } else {
        }
        %and3A_163 = arith.constant true
        %and3A_164 = arith.andi %and3A, %and3A_163 : i1
        %add3A_165 = arith.constant 1 : i32
        %add3A_166 = arith.addi %scan3A_122, %add3A_165 : i32
        %select_n3A_167 = arith.select %and3A_164, %add3A_166, %scan3A_122 : i32
        %ne3A_168 = arith.cmpi ne, %add3A_131, %add3A_149 : i32
        %or3A_169 = arith.constant false
        %or3A_170 = arith.ori %or3A_169, %ne3A_168 : i1
        %or3A_171 = arith.constant false
        %or3A_172 = arith.ori %or3A_170, %or3A_171 : i1
        %ge3A_173 = arith.constant 3 : i32
        %ge3A_174 = arith.cmpi sge, %scan3A_121, %ge3A_173 : i32
        %not3A_175 = arith.constant true
        %not3A_176 = arith.xori %ge3A_174, %not3A_175 : i1
        %and3A_177 = arith.andi %or3A_172, %not3A_176 : i1
        %ne3A_178 = arith.cmpi ne, %add3A_131, %add3A_140 : i32
        %or3A_179 = arith.constant false
        %or3A_180 = arith.ori %or3A_179, %ne3A_178 : i1
        %or3A_181 = arith.ori %or3A_180, %eq3A_128 : i1
        %convert_element_type3A_182 = arith.extui %or3A_181 : i1 to i32
        %cond3A_183 = arith.constant 0 : i32
        %cond3A_184 = arith.cmpi ne, %convert_element_type3A_182, %cond3A_183 : i32
        scf.if %cond3A_184 {
          "tpu.trace_start"() <{level = 10 : i32, message = "ep_wait_in"}> : () -> ()
          %mul3A_264 = arith.constant 128 : i32
          %mul3A_265 = arith.muli %mul3A_264, %add3A_131 : i32
          %rem3A_266 = arith.constant 2 : i32
          %rem3A_267 = arith.remui %scan3A_123, %rem3A_266 : i32
          %dma_wait3A_268 = arith.constant 0 : i32
          %dma_wait3A_269 = arith.constant 0 : i32
          %dma_wait3A_270 = tpu.memref_slice %run_scoped3A[%rem3A_267, %dma_wait3A_268, %dma_wait3A_269] : memref<2x1x128xi32, #tpu.memory_space<vmem>> -> memref<1x1x128xi32, #tpu.memory_space<vmem>>
          %dma_wait3A_271 = tpu.memref_squeeze %dma_wait3A_270 : memref<1x1x128xi32, #tpu.memory_space<vmem>> -> memref<1x128xi32, #tpu.memory_space<vmem>>
          %dma_wait3A_272 = arith.constant 0 : i32
          %dma_wait3A_273 = tpu.memref_slice %arg3[%dma_wait3A_272, %mul3A_265] : memref<1x16384xi32, #tpu.memory_space<hbm>> -> memref<1x128xi32, #tpu.memory_space<hbm>>
          %dma_wait3A_274 = tpu.memref_slice %run_scoped3A_7[%rem3A_267] : memref<2x!tpu.dma_semaphore, #tpu.memory_space<semaphore_mem>> -> memref<1x!tpu.dma_semaphore, #tpu.memory_space<semaphore_mem>>
          %dma_wait3A_275 = tpu.memref_squeeze %dma_wait3A_274 : memref<1x!tpu.dma_semaphore, #tpu.memory_space<semaphore_mem>> -> memref<!tpu.dma_semaphore, #tpu.memory_space<semaphore_mem>>
          %dma_wait3A_276 = arith.constant 0 : i32
          %dma_wait3A_277 = arith.constant 0 : i32
          %dma_wait3A_278 = tpu.memref_slice %run_scoped3A[%rem3A_267, %dma_wait3A_276, %dma_wait3A_277] : memref<2x1x128xi32, #tpu.memory_space<vmem>> -> memref<1x1x128xi32, #tpu.memory_space<vmem>>
          %dma_wait3A_279 = tpu.memref_squeeze %dma_wait3A_278 : memref<1x1x128xi32, #tpu.memory_space<vmem>> -> memref<1x128xi32, #tpu.memory_space<vmem>>
          %dma_wait3A_280 = arith.constant 0 : i32
          %dma_wait3A_281 = tpu.memref_slice %arg3[%dma_wait3A_280, %mul3A_265] : memref<1x16384xi32, #tpu.memory_space<hbm>> -> memref<1x128xi32, #tpu.memory_space<hbm>>
          tpu.wait_dma2 semaphore(%dma_wait3A_275 : memref<!tpu.dma_semaphore, #tpu.memory_space<semaphore_mem>>) src(%dma_wait3A_281 : memref<1x128xi32, #tpu.memory_space<hbm>>) dst(%dma_wait3A_279 : memref<1x128xi32, #tpu.memory_space<vmem>>)
          "tpu.trace_stop"() : () -> ()
        } else {
        }
        %ne3A_185 = arith.cmpi ne, %add3A_131, %add3A_140 : i32
        %or3A_186 = arith.constant false
        %or3A_187 = arith.ori %or3A_186, %ne3A_185 : i1
        %or3A_188 = arith.constant false
        %or3A_189 = arith.ori %or3A_187, %or3A_188 : i1
        %or3A_190 = arith.ori %or3A_189, %eq3A_128 : i1
        %convert_element_type3A_191 = arith.extui %or3A_190 : i1 to i32
        %cond3A_192 = arith.constant 0 : i32
        %cond3A_193 = arith.cmpi ne, %convert_element_type3A_191, %cond3A_192 : i32
        scf.if %cond3A_193 {
        } else {
        }
        %rem3A_194 = arith.constant 2 : i32
        %rem3A_195 = arith.remui %scan3A_123, %rem3A_194 : i32
        %rem3A_196 = arith.constant 2 : i32
        %rem3A_197 = arith.remui %scan3A_124, %rem3A_196 : i32
        %run_scoped3A_198 = arith.constant 0 : i32
        "tpu.trace_start"() <{level = 10 : i32, message = "ep_run_kernel"}> : () -> ()
        "tpu.region"() ({
          %run_scoped3A_264 = tpu.sem_alloc : memref<!tpu.dma_semaphore, #tpu.memory_space<semaphore_mem>>
          %dma_start3A_265 = arith.constant 0 : i32
          %dma_start3A_266 = arith.constant 0 : i32
          %dma_start3A_267 = tpu.memref_slice %run_scoped3A_8[%rem3A_197, %dma_start3A_265, %dma_start3A_266] : memref<2x128x256xf32, #tpu.memory_space<vmem>> -> memref<1x128x256xf32, #tpu.memory_space<vmem>>
          %dma_start3A_268 = tpu.memref_squeeze %dma_start3A_267 : memref<1x128x256xf32, #tpu.memory_space<vmem>> -> memref<128x256xf32, #tpu.memory_space<vmem>>
          %dma_start3A_269 = arith.constant 0 : i32
          %dma_start3A_270 = arith.constant 0 : i32
          %dma_start3A_271 = tpu.memref_slice %run_scoped3A[%rem3A_195, %dma_start3A_269, %dma_start3A_270] : memref<2x1x128xi32, #tpu.memory_space<vmem>> -> memref<1x1x128xi32, #tpu.memory_space<vmem>>
          %dma_start3A_272 = tpu.memref_squeeze %dma_start3A_271 : memref<1x1x128xi32, #tpu.memory_space<vmem>> -> memref<1x128xi32, #tpu.memory_space<vmem>>
          %dma_start3A_273 = arith.constant 0 : i32
          %dma_start3A_274 = tpu.memref_slice %dma_start3A_272[%run_scoped3A_198, %dma_start3A_273] : memref<1x128xi32, #tpu.memory_space<vmem>> -> memref<1x128xi32, #tpu.memory_space<vmem>>
          %dma_start3A_275 = tpu.memref_squeeze %dma_start3A_274 : memref<1x128xi32, #tpu.memory_space<vmem>> -> memref<128xi32, #tpu.memory_space<vmem>>
          %dma_start3A_276 = arith.constant 0 : i32
          %dma_start3A_277 = arith.constant 0 : i32
          %dma_start3A_278 = tpu.memref_slice %arg2[%dma_start3A_276, %dma_start3A_277] : memref<8192x256xf32, #tpu.memory_space<hbm>> -> memref<8192x256xf32, #tpu.memory_space<hbm>>
          tpu.enqueue_indirect_dma source(%dma_start3A_278 : memref<8192x256xf32, #tpu.memory_space<hbm>>) target(%dma_start3A_268 : memref<128x256xf32, #tpu.memory_space<vmem>>) offsets(%dma_start3A_275 : memref<128xi32, #tpu.memory_space<vmem>>) semaphore(%run_scoped3A_264 : memref<!tpu.dma_semaphore, #tpu.memory_space<semaphore_mem>>)
          %dma_wait3A_279 = arith.constant 0 : i32
          %dma_wait3A_280 = arith.constant 0 : i32
          %dma_wait3A_281 = tpu.memref_slice %run_scoped3A_8[%rem3A_197, %dma_wait3A_279, %dma_wait3A_280] : memref<2x128x256xf32, #tpu.memory_space<vmem>> -> memref<1x128x256xf32, #tpu.memory_space<vmem>>
          %dma_wait3A_282 = tpu.memref_squeeze %dma_wait3A_281 : memref<1x128x256xf32, #tpu.memory_space<vmem>> -> memref<128x256xf32, #tpu.memory_space<vmem>>
          %dma_wait3A_283 = arith.constant 0 : i32
          %dma_wait3A_284 = arith.constant 0 : i32
          %dma_wait3A_285 = tpu.memref_slice %run_scoped3A[%rem3A_195, %dma_wait3A_283, %dma_wait3A_284] : memref<2x1x128xi32, #tpu.memory_space<vmem>> -> memref<1x1x128xi32, #tpu.memory_space<vmem>>
          %dma_wait3A_286 = tpu.memref_squeeze %dma_wait3A_285 : memref<1x1x128xi32, #tpu.memory_space<vmem>> -> memref<1x128xi32, #tpu.memory_space<vmem>>
          %dma_wait3A_287 = arith.constant 0 : i32
          %dma_wait3A_288 = tpu.memref_slice %dma_wait3A_286[%run_scoped3A_198, %dma_wait3A_287] : memref<1x128xi32, #tpu.memory_space<vmem>> -> memref<1x128xi32, #tpu.memory_space<vmem>>
          %dma_wait3A_289 = tpu.memref_squeeze %dma_wait3A_288 : memref<1x128xi32, #tpu.memory_space<vmem>> -> memref<128xi32, #tpu.memory_space<vmem>>
          %dma_wait3A_290 = arith.constant 0 : i32
          %dma_wait3A_291 = arith.constant 0 : i32
          %dma_wait3A_292 = tpu.memref_slice %arg2[%dma_wait3A_290, %dma_wait3A_291] : memref<8192x256xf32, #tpu.memory_space<hbm>> -> memref<8192x256xf32, #tpu.memory_space<hbm>>
          tpu.wait_indirect_dma semaphore(%run_scoped3A_264 : memref<!tpu.dma_semaphore, #tpu.memory_space<semaphore_mem>>) src(%dma_wait3A_292 : memref<8192x256xf32, #tpu.memory_space<hbm>>) dst(%dma_wait3A_282 : memref<128x256xf32, #tpu.memory_space<vmem>>)
          tpu.yield
        }) : () -> ()
        "tpu.trace_stop"() : () -> ()
        %ne3A_199 = arith.cmpi ne, %add3A_131, %add3A_149 : i32
        %or3A_200 = arith.constant false
        %or3A_201 = arith.ori %or3A_200, %ne3A_199 : i1
        %or3A_202 = arith.ori %or3A_201, %eq3A_130 : i1
        %convert_element_type3A_203 = arith.extui %or3A_202 : i1 to i32
        %cond3A_204 = arith.constant 0 : i32
        %cond3A_205 = arith.cmpi ne, %convert_element_type3A_203, %cond3A_204 : i32
        scf.if %cond3A_205 {
        } else {
        }
        %and3A_206 = arith.constant false
        %and3A_207 = arith.andi %or3A_202, %and3A_206 : i1
        %ne3A_208 = arith.cmpi ne, %add3A_131, %add3A_149 : i32
        %or3A_209 = arith.constant false
        %or3A_210 = arith.ori %or3A_209, %ne3A_208 : i1
        %or3A_211 = arith.constant false
        %or3A_212 = arith.ori %or3A_210, %or3A_211 : i1
        %or3A_213 = arith.ori %or3A_212, %eq3A_130 : i1
        %convert_element_type3A_214 = arith.extui %or3A_213 : i1 to i32
        %cond3A_215 = arith.constant 0 : i32
        %cond3A_216 = arith.cmpi ne, %convert_element_type3A_214, %cond3A_215 : i32
        scf.if %cond3A_216 {
          "tpu.trace_start"() <{level = 10 : i32, message = "ep_copy_out"}> : () -> ()
          %rem3A_264 = arith.constant 2 : i32
          %rem3A_265 = arith.remui %scan3A_124, %rem3A_264 : i32
          %mul3A_266 = arith.constant 128 : i32
          %mul3A_267 = arith.muli %mul3A_266, %add3A_131 : i32
          %dma_start3A_268 = arith.constant 0 : i32
          %dma_start3A_269 = arith.constant 0 : i32
          %dma_start3A_270 = tpu.memref_slice %run_scoped3A_8[%rem3A_265, %dma_start3A_268, %dma_start3A_269] : memref<2x128x256xf32, #tpu.memory_space<vmem>> -> memref<1x128x256xf32, #tpu.memory_space<vmem>>
          %dma_start3A_271 = tpu.memref_squeeze %dma_start3A_270 : memref<1x128x256xf32, #tpu.memory_space<vmem>> -> memref<128x256xf32, #tpu.memory_space<vmem>>
          %dma_start3A_272 = arith.constant 0 : i32
          %dma_start3A_273 = tpu.memref_slice %arg4[%mul3A_267, %dma_start3A_272] : memref<16384x256xf32, #tpu.memory_space<hbm>> -> memref<128x256xf32, #tpu.memory_space<hbm>>
          %dma_start3A_274 = tpu.memref_slice %run_scoped3A_9[%rem3A_265] : memref<2x!tpu.dma_semaphore, #tpu.memory_space<semaphore_mem>> -> memref<1x!tpu.dma_semaphore, #tpu.memory_space<semaphore_mem>>
          %dma_start3A_275 = tpu.memref_squeeze %dma_start3A_274 : memref<1x!tpu.dma_semaphore, #tpu.memory_space<semaphore_mem>> -> memref<!tpu.dma_semaphore, #tpu.memory_space<semaphore_mem>>
          %dma_start3A_276 = arith.constant 0 : i32
          %dma_start3A_277 = tpu.memref_slice %arg4[%mul3A_267, %dma_start3A_276] : memref<16384x256xf32, #tpu.memory_space<hbm>> -> memref<128x256xf32, #tpu.memory_space<hbm>>
          %dma_start3A_278 = arith.constant 0 : i32
          %dma_start3A_279 = arith.constant 0 : i32
          %dma_start3A_280 = tpu.memref_slice %run_scoped3A_8[%rem3A_265, %dma_start3A_278, %dma_start3A_279] : memref<2x128x256xf32, #tpu.memory_space<vmem>> -> memref<1x128x256xf32, #tpu.memory_space<vmem>>
          %dma_start3A_281 = tpu.memref_squeeze %dma_start3A_280 : memref<1x128x256xf32, #tpu.memory_space<vmem>> -> memref<128x256xf32, #tpu.memory_space<vmem>>
          tpu.enqueue_dma source(%dma_start3A_281 : memref<128x256xf32, #tpu.memory_space<vmem>>) target(%dma_start3A_277 : memref<128x256xf32, #tpu.memory_space<hbm>>) target_semaphore(%dma_start3A_275 : memref<!tpu.dma_semaphore, #tpu.memory_space<semaphore_mem>>)
          "tpu.trace_stop"() : () -> ()
        } else {
        }
        %and3A_217 = arith.constant true
        %and3A_218 = arith.andi %or3A_213, %and3A_217 : i1
        %add3A_219 = arith.constant 1 : i32
        %add3A_220 = arith.addi %scan3A_124, %add3A_219 : i32
        %select_n3A_221 = arith.select %and3A_218, %add3A_220, %scan3A_124 : i32
        %ne3A_222 = arith.cmpi ne, %add3A_131, %add3A_140 : i32
        %or3A_223 = arith.constant false
        %or3A_224 = arith.ori %or3A_223, %ne3A_222 : i1
        %not3A_225 = arith.constant true
        %not3A_226 = arith.xori %eq3A_128, %not3A_225 : i1
        %and3A_227 = arith.andi %or3A_224, %not3A_226 : i1
        %convert_element_type3A_228 = arith.extui %and3A_227 : i1 to i32
        %cond3A_229 = arith.constant 0 : i32
        %cond3A_230 = arith.cmpi ne, %convert_element_type3A_228, %cond3A_229 : i32
        scf.if %cond3A_230 {
        } else {
        }
        %and3A_231 = arith.constant false
        %and3A_232 = arith.andi %and3A_227, %and3A_231 : i1
        %ne3A_233 = arith.cmpi ne, %add3A_131, %add3A_140 : i32
        %or3A_234 = arith.constant false
        %or3A_235 = arith.ori %or3A_234, %ne3A_233 : i1
        %or3A_236 = arith.constant false
        %or3A_237 = arith.ori %or3A_235, %or3A_236 : i1
        %not3A_238 = arith.constant true
        %not3A_239 = arith.xori %eq3A_128, %not3A_238 : i1
        %and3A_240 = arith.andi %or3A_237, %not3A_239 : i1
        %convert_element_type3A_241 = arith.extui %and3A_240 : i1 to i32
        %cond3A_242 = arith.constant 0 : i32
        %cond3A_243 = arith.cmpi ne, %convert_element_type3A_241, %cond3A_242 : i32
        scf.if %cond3A_243 {
          "tpu.trace_start"() <{level = 10 : i32, message = "ep_wait_out"}> : () -> ()
          %rem3A_264 = arith.constant 2 : i32
          %rem3A_265 = arith.remui %scan3A_125, %rem3A_264 : i32
          %mul3A_266 = arith.constant 128 : i32
          %mul3A_267 = arith.muli %mul3A_266, %add3A_140 : i32
          %dma_wait3A_268 = arith.constant 0 : i32
          %dma_wait3A_269 = arith.constant 0 : i32
          %dma_wait3A_270 = tpu.memref_slice %run_scoped3A_8[%rem3A_265, %dma_wait3A_268, %dma_wait3A_269] : memref<2x128x256xf32, #tpu.memory_space<vmem>> -> memref<1x128x256xf32, #tpu.memory_space<vmem>>
          %dma_wait3A_271 = tpu.memref_squeeze %dma_wait3A_270 : memref<1x128x256xf32, #tpu.memory_space<vmem>> -> memref<128x256xf32, #tpu.memory_space<vmem>>
          %dma_wait3A_272 = arith.constant 0 : i32
          %dma_wait3A_273 = tpu.memref_slice %arg4[%mul3A_267, %dma_wait3A_272] : memref<16384x256xf32, #tpu.memory_space<hbm>> -> memref<128x256xf32, #tpu.memory_space<hbm>>
          %dma_wait3A_274 = tpu.memref_slice %run_scoped3A_9[%rem3A_265] : memref<2x!tpu.dma_semaphore, #tpu.memory_space<semaphore_mem>> -> memref<1x!tpu.dma_semaphore, #tpu.memory_space<semaphore_mem>>
          %dma_wait3A_275 = tpu.memref_squeeze %dma_wait3A_274 : memref<1x!tpu.dma_semaphore, #tpu.memory_space<semaphore_mem>> -> memref<!tpu.dma_semaphore, #tpu.memory_space<semaphore_mem>>
          %dma_wait3A_276 = arith.constant 0 : i32
          %dma_wait3A_277 = tpu.memref_slice %arg4[%mul3A_267, %dma_wait3A_276] : memref<16384x256xf32, #tpu.memory_space<hbm>> -> memref<128x256xf32, #tpu.memory_space<hbm>>
          %dma_wait3A_278 = arith.constant 0 : i32
          %dma_wait3A_279 = arith.constant 0 : i32
          %dma_wait3A_280 = tpu.memref_slice %run_scoped3A_8[%rem3A_265, %dma_wait3A_278, %dma_wait3A_279] : memref<2x128x256xf32, #tpu.memory_space<vmem>> -> memref<1x128x256xf32, #tpu.memory_space<vmem>>
          %dma_wait3A_281 = tpu.memref_squeeze %dma_wait3A_280 : memref<1x128x256xf32, #tpu.memory_space<vmem>> -> memref<128x256xf32, #tpu.memory_space<vmem>>
          tpu.wait_dma2 semaphore(%dma_wait3A_275 : memref<!tpu.dma_semaphore, #tpu.memory_space<semaphore_mem>>) src(%dma_wait3A_281 : memref<128x256xf32, #tpu.memory_space<vmem>>) dst(%dma_wait3A_277 : memref<128x256xf32, #tpu.memory_space<hbm>>)
          "tpu.trace_stop"() : () -> ()
        } else {
        }
        %and3A_244 = arith.constant true
        %and3A_245 = arith.andi %and3A_240, %and3A_244 : i1
        %add3A_246 = arith.constant 1 : i32
        %add3A_247 = arith.addi %scan3A_125, %add3A_246 : i32
        %select_n3A_248 = arith.select %and3A_245, %add3A_247, %scan3A_125 : i32
        %ne3A_249 = arith.cmpi ne, %add3A_131, %add3A_149 : i32
        %or3A_250 = arith.constant false
        %or3A_251 = arith.ori %or3A_250, %ne3A_249 : i1
        %or3A_252 = arith.ori %or3A_251, %eq3A_130 : i1
        %add3A_253 = arith.constant 1 : i32
        %add3A_254 = arith.addi %scan3A_123, %add3A_253 : i32
        %select_n3A_255 = arith.select %or3A_252, %add3A_254, %scan3A_123 : i32
        %add3A_256 = arith.constant 1 : i32
        %add3A_257 = arith.addi %scan3A_126, %add3A_256 : i32
        %select_n3A_258 = arith.constant true
        %select_n3A_259 = arith.select %select_n3A_258, %add3A_257, %scan3A_126 : i32
        %eq3A_260 = arith.constant 4 : i32
        %eq3A_261 = arith.cmpi eq, %select_n3A_259, %eq3A_260 : i32
        %select_n3A_262 = arith.constant 0 : i32
        %select_n3A_263 = arith.select %eq3A_261, %select_n3A_262, %select_n3A_259 : i32
        scf.yield %select_n3A_167, %select_n3A_255, %select_n3A_221, %select_n3A_248, %select_n3A_263 : i32, i32, i32, i32, i32
      }
      %scan3A_68 = arith.constant 4 : i32
      %sub3A = arith.constant 1 : i32
      %sub3A_69 = arith.subi %scan3A_67#4, %sub3A : i32
      %select_n3A_70 = arith.constant true
      %select_n3A_71 = arith.select %select_n3A_70, %sub3A_69, %scan3A_67#4 : i32
      %eq3A_72 = arith.constant -1 : i32
      %eq3A_73 = arith.cmpi eq, %select_n3A_71, %eq3A_72 : i32
      %select_n3A_74 = arith.constant 3 : i32
      %select_n3A_75 = arith.select %eq3A_73, %select_n3A_74, %select_n3A_71 : i32
      %add3A_76 = arith.addi %select_n3A_75, %mul3A_6 : i32
      %sub3A_77 = arith.constant 1 : i32
      %sub3A_78 = arith.subi %select_n3A_75, %sub3A_77 : i32
      %select_n3A_79 = arith.constant true
      %select_n3A_80 = arith.select %select_n3A_79, %sub3A_78, %select_n3A_75 : i32
      %eq3A_81 = arith.constant -1 : i32
      %eq3A_82 = arith.cmpi eq, %select_n3A_80, %eq3A_81 : i32
      %select_n3A_83 = arith.constant 3 : i32
      %select_n3A_84 = arith.select %eq3A_82, %select_n3A_83, %select_n3A_80 : i32
      %add3A_85 = arith.addi %select_n3A_84, %mul3A_6 : i32
      %add3A_86 = arith.constant 1 : i32
      %add3A_87 = arith.addi %select_n3A_75, %add3A_86 : i32
      %select_n3A_88 = arith.constant true
      %select_n3A_89 = arith.select %select_n3A_88, %add3A_87, %select_n3A_75 : i32
      %eq3A_90 = arith.constant 4 : i32
      %eq3A_91 = arith.cmpi eq, %select_n3A_89, %eq3A_90 : i32
      %select_n3A_92 = arith.constant 0 : i32
      %select_n3A_93 = arith.select %eq3A_91, %select_n3A_92, %select_n3A_89 : i32
      %add3A_94 = arith.addi %select_n3A_93, %mul3A_6 : i32
      %add3A_95 = arith.constant 1 : i32
      %add3A_96 = arith.addi %select_n3A_93, %add3A_95 : i32
      %select_n3A_97 = arith.constant true
      %select_n3A_98 = arith.select %select_n3A_97, %add3A_96, %select_n3A_93 : i32
      %eq3A_99 = arith.constant 4 : i32
      %eq3A_100 = arith.cmpi eq, %select_n3A_98, %eq3A_99 : i32
      %select_n3A_101 = arith.constant 0 : i32
      %select_n3A_102 = arith.select %eq3A_100, %select_n3A_101, %select_n3A_98 : i32
      %add3A_103 = arith.addi %select_n3A_102, %mul3A_6 : i32
      "tpu.trace_start"() <{level = 10 : i32, message = "ep_finalize"}> : () -> ()
      %rem3A_104 = arith.constant 2 : i32
      %rem3A_105 = arith.remui %scan3A_67#3, %rem3A_104 : i32
      %mul3A_106 = arith.constant 128 : i32
      %mul3A_107 = arith.muli %mul3A_106, %add3A_76 : i32
      %dma_wait3A = arith.constant 0 : i32
      %dma_wait3A_108 = arith.constant 0 : i32
      %dma_wait3A_109 = tpu.memref_slice %run_scoped3A_8[%rem3A_105, %dma_wait3A, %dma_wait3A_108] : memref<2x128x256xf32, #tpu.memory_space<vmem>> -> memref<1x128x256xf32, #tpu.memory_space<vmem>>
      %dma_wait3A_110 = tpu.memref_squeeze %dma_wait3A_109 : memref<1x128x256xf32, #tpu.memory_space<vmem>> -> memref<128x256xf32, #tpu.memory_space<vmem>>
      %dma_wait3A_111 = arith.constant 0 : i32
      %dma_wait3A_112 = tpu.memref_slice %arg4[%mul3A_107, %dma_wait3A_111] : memref<16384x256xf32, #tpu.memory_space<hbm>> -> memref<128x256xf32, #tpu.memory_space<hbm>>
      %dma_wait3A_113 = tpu.memref_slice %run_scoped3A_9[%rem3A_105] : memref<2x!tpu.dma_semaphore, #tpu.memory_space<semaphore_mem>> -> memref<1x!tpu.dma_semaphore, #tpu.memory_space<semaphore_mem>>
      %dma_wait3A_114 = tpu.memref_squeeze %dma_wait3A_113 : memref<1x!tpu.dma_semaphore, #tpu.memory_space<semaphore_mem>> -> memref<!tpu.dma_semaphore, #tpu.memory_space<semaphore_mem>>
      %dma_wait3A_115 = arith.constant 0 : i32
      %dma_wait3A_116 = tpu.memref_slice %arg4[%mul3A_107, %dma_wait3A_115] : memref<16384x256xf32, #tpu.memory_space<hbm>> -> memref<128x256xf32, #tpu.memory_space<hbm>>
      %dma_wait3A_117 = arith.constant 0 : i32
      %dma_wait3A_118 = arith.constant 0 : i32
      %dma_wait3A_119 = tpu.memref_slice %run_scoped3A_8[%rem3A_105, %dma_wait3A_117, %dma_wait3A_118] : memref<2x128x256xf32, #tpu.memory_space<vmem>> -> memref<1x128x256xf32, #tpu.memory_space<vmem>>
      %dma_wait3A_120 = tpu.memref_squeeze %dma_wait3A_119 : memref<1x128x256xf32, #tpu.memory_space<vmem>> -> memref<128x256xf32, #tpu.memory_space<vmem>>
      tpu.wait_dma2 semaphore(%dma_wait3A_114 : memref<!tpu.dma_semaphore, #tpu.memory_space<semaphore_mem>>) src(%dma_wait3A_120 : memref<128x256xf32, #tpu.memory_space<vmem>>) dst(%dma_wait3A_116 : memref<128x256xf32, #tpu.memory_space<hbm>>)
      "tpu.trace_stop"() : () -> ()
      tpu.yield
    }) : () -> ()
    return
  }
}

module attributes {stable_mosaic.version = 14 : i64} {
  func.func @_dist_argmin_body(%arg0: i32, %arg1: memref<256x256xf32, #tpu.memory_space<vmem>>, %arg2: memref<8192x256xf32, #tpu.memory_space<vmem>>, %arg3: memref<1x1x256xi32, #tpu.memory_space<vmem>>, %arg4: memref<8192x1xf32, #tpu.memory_space<vmem>>, %arg5: memref<8192x256xbf16, #tpu.memory_space<vmem>>) attributes {dimension_semantics = [#tpu.dimension_semantics<arbitrary>], iteration_bounds = array<i64: 64>, scalar_prefetch = 0 : i64, scratch_operands = 2 : i64, tpu.core_type = #tpu.core_type<tc>, window_params = [{transform_indices = @transform_0, window_bounds = array<i64: 256, 256>}, {pipeline_mode = #tpu.pipeline_mode<synchronous>, transform_indices = @transform_1, window_bounds = array<i64: 8192, 256>}, {transform_indices = @transform_2, window_bounds = array<i64: 1, 1, 256>}]} {
    %eq3A = arith.constant 0 : i32
    %eq3A_0 = arith.cmpi eq, %arg0, %eq3A : i32
    %convert_element_type3A = arith.extui %eq3A_0 : i1 to i32
    %cond3A = arith.constant 0 : i32
    %cond3A_1 = arith.cmpi ne, %convert_element_type3A, %cond3A : i32
    scf.if %cond3A_1 {
      %get3A_1687 = arith.constant 0 : index
      %get3A_1688 = arith.constant 0 : index
      %get3A_1689 = vector.load %arg2[%get3A_1687, %get3A_1688] : memref<8192x256xf32, #tpu.memory_space<vmem>>, vector<8192x256xf32>
      %mul3A_1690 = arith.mulf %get3A_1689, %get3A_1689 : vector<8192x256xf32>
      %reduce_sum3A_1691 = arith.constant dense<0.000000e+00> : vector<8192xf32>
      %reduce_sum3A_1692 = vector.multi_reduction <add>, %mul3A_1690, %reduce_sum3A_1691 [1] : vector<8192x256xf32> to vector<8192xf32>
      %broadcast_in_dim3A_1693 = vector.shape_cast %reduce_sum3A_1692 : vector<8192xf32> to vector<8192x1xf32>
      %swap3A_1694 = arith.constant 0 : index
      %swap3A_1695 = arith.constant 0 : index
      %swap3A_1696 = vector.load %arg4[%swap3A_1694, %swap3A_1695] : memref<8192x1xf32, #tpu.memory_space<vmem>>, vector<8192x1xf32>
      tpu.vector_store %arg4[%swap3A_1694, %swap3A_1695], %broadcast_in_dim3A_1693 {strides = array<i32>} : memref<8192x1xf32, #tpu.memory_space<vmem>>, vector<8192x1xf32>,
      %convert_element_type3A_1697 = arith.truncf %get3A_1689 : vector<8192x256xf32> to vector<8192x256xbf16>
      %swap3A_1698 = arith.constant 0 : index
      %swap3A_1699 = arith.constant 0 : index
      %swap3A_1700 = vector.load %arg5[%swap3A_1698, %swap3A_1699] : memref<8192x256xbf16, #tpu.memory_space<vmem>>, vector<8192x256xbf16>
      tpu.vector_store %arg5[%swap3A_1698, %swap3A_1699], %convert_element_type3A_1697 {strides = array<i32>} : memref<8192x256xbf16, #tpu.memory_space<vmem>>, vector<8192x256xbf16>,
    } else {
    }
    %get3A = arith.constant 0 : index
    %get3A_2 = arith.constant 0 : index
    %get3A_3 = vector.load %arg1[%get3A, %get3A_2] : memref<256x256xf32, #tpu.memory_space<vmem>>, vector<256x256xf32>
    %mul3A = arith.constant -2.000000e+00 : f32
    %mul3A_4 = vector.broadcast %mul3A : f32 to vector<256x256xf32>
    %mul3A_5 = arith.mulf %mul3A_4, %get3A_3 : vector<256x256xf32>
    %convert_element_type3A_6 = arith.truncf %mul3A_5 : vector<256x256xf32> to vector<256x256xbf16>
    %get3A_7 = arith.constant 0 : index
    %get3A_8 = arith.constant 0 : index
    %get3A_9 = vector.load %arg5[%get3A_7, %get3A_8] : memref<8192x256xbf16, #tpu.memory_space<vmem>>, vector<8192x256xbf16>
    %dot_general3A = arith.constant dense<0.000000e+00> : vector<8192x256xf32>
    %dot_general3A_10 = tpu.matmul %get3A_9, %convert_element_type3A_6, %dot_general3A {dimension_numbers = #tpu.dot_dimension_numbers<[1], [1], [0], [0], [0, 0, 1, 0], [], []>, transpose_lhs_hint = false} : vector<8192x256xbf16>, vector<256x256xbf16>, vector<8192x256xf32> -> vector<8192x256xf32>
    %mul3A_11 = arith.mulf %get3A_3, %get3A_3 : vector<256x256xf32>
    %reduce_sum3A = arith.constant dense<0.000000e+00> : vector<256xf32>
    %reduce_sum3A_12 = vector.multi_reduction <add>, %mul3A_11, %reduce_sum3A [1] : vector<256x256xf32> to vector<256xf32>
    %broadcast_in_dim3A = vector.shape_cast %reduce_sum3A_12 : vector<256xf32> to vector<256x1xf32>
    %transpose3A = tpu.transpose %broadcast_in_dim3A, [1, 0] : vector<256x1xf32> -> vector<1x256xf32>
    %slice3A = vector.extract_strided_slice %dot_general3A_10 {offsets = [0, 0], sizes = [64, 256], strides = [1, 1]} : vector<8192x256xf32> to vector<64x256xf32>
    %add3A = vector.broadcast %transpose3A : vector<1x256xf32> to vector<64x256xf32>
    %add3A_13 = arith.addf %add3A, %slice3A : vector<64x256xf32>
    %get3A_14 = arith.constant 0 : index
    %get3A_15 = arith.constant 0 : index
    %get3A_16 = vector.load %arg4[%get3A_14, %get3A_15] : memref<8192x1xf32, #tpu.memory_space<vmem>>, vector<64x1xf32>
    %add3A_17 = vector.broadcast %get3A_16 : vector<64x1xf32> to vector<64x256xf32>
    %add3A_18 = arith.addf %add3A_13, %add3A_17 : vector<64x256xf32>
    %broadcast_in_dim3A_19 = arith.constant 0 : i32
    %broadcast_in_dim3A_20 = vector.broadcast %broadcast_in_dim3A_19 : i32 to vector<64x256xi32>
    %slice3A_21 = vector.extract_strided_slice %dot_general3A_10 {offsets = [64, 0], sizes = [64, 256], strides = [1, 1]} : vector<8192x256xf32> to vector<64x256xf32>
    %add3A_22 = vector.broadcast %transpose3A : vector<1x256xf32> to vector<64x256xf32>
    %add3A_23 = arith.addf %add3A_22, %slice3A_21 : vector<64x256xf32>
    %get3A_24 = arith.constant 64 : index
    %get3A_25 = arith.constant 0 : index
    %get3A_26 = vector.load %arg4[%get3A_24, %get3A_25] : memref<8192x1xf32, #tpu.memory_space<vmem>>, vector<64x1xf32>
    %add3A_27 = vector.broadcast %get3A_26 : vector<64x1xf32> to vector<64x256xf32>
    %add3A_28 = arith.addf %add3A_23, %add3A_27 : vector<64x256xf32>
    %lt3A = arith.cmpf olt, %add3A_28, %add3A_18 : vector<64x256xf32>
    %select_n3A = arith.select %lt3A, %add3A_28, %add3A_18 : vector<64x256xi1>, vector<64x256xf32>
    %jit3A = arith.constant 1 : i32
    %broadcast_in_dim3A_29 = vector.broadcast %jit3A : i32 to vector<64x256xi32>
    %select_n3A_30 = arith.select %lt3A, %broadcast_in_dim3A_29, %broadcast_in_dim3A_20 : vector<64x256xi1>, vector<64x256xi32>
    %slice3A_31 = vector.extract_strided_slice %dot_general3A_10 {offsets = [128, 0], sizes = [64, 256], strides = [1, 1]} : vector<8192x256xf32> to vector<64x256xf32>
    %add3A_32 = vector.broadcast %transpose3A : vector<1x256xf32> to vector<64x256xf32>
    %add3A_33 = arith.addf %add3A_32, %slice3A_31 : vector<64x256xf32>
    %get3A_34 = arith.constant 128 : index
    %get3A_35 = arith.constant 0 : index
    %get3A_36 = vector.load %arg4[%get3A_34, %get3A_35] : memref<8192x1xf32, #tpu.memory_space<vmem>>, vector<64x1xf32>
    %add3A_37 = vector.broadcast %get3A_36 : vector<64x1xf32> to vector<64x256xf32>
    %add3A_38 = arith.addf %add3A_33, %add3A_37 : vector<64x256xf32>
    %lt3A_39 = arith.cmpf olt, %add3A_38, %select_n3A : vector<64x256xf32>
    %select_n3A_40 = arith.select %lt3A_39, %add3A_38, %select_n3A : vector<64x256xi1>, vector<64x256xf32>
    %jit3A_41 = arith.constant 2 : i32
    %broadcast_in_dim3A_42 = vector.broadcast %jit3A_41 : i32 to vector<64x256xi32>
    %select_n3A_43 = arith.select %lt3A_39, %broadcast_in_dim3A_42, %select_n3A_30 : vector<64x256xi1>, vector<64x256xi32>
    %slice3A_44 = vector.extract_strided_slice %dot_general3A_10 {offsets = [192, 0], sizes = [64, 256], strides = [1, 1]} : vector<8192x256xf32> to vector<64x256xf32>
    %add3A_45 = vector.broadcast %transpose3A : vector<1x256xf32> to vector<64x256xf32>
    %add3A_46 = arith.addf %add3A_45, %slice3A_44 : vector<64x256xf32>
    %get3A_47 = arith.constant 192 : index
    %get3A_48 = arith.constant 0 : index
    %get3A_49 = vector.load %arg4[%get3A_47, %get3A_48] : memref<8192x1xf32, #tpu.memory_space<vmem>>, vector<64x1xf32>
    %add3A_50 = vector.broadcast %get3A_49 : vector<64x1xf32> to vector<64x256xf32>
    %add3A_51 = arith.addf %add3A_46, %add3A_50 : vector<64x256xf32>
    %lt3A_52 = arith.cmpf olt, %add3A_51, %select_n3A_40 : vector<64x256xf32>
    %select_n3A_53 = arith.select %lt3A_52, %add3A_51, %select_n3A_40 : vector<64x256xi1>, vector<64x256xf32>
    %jit3A_54 = arith.constant 3 : i32
    %broadcast_in_dim3A_55 = vector.broadcast %jit3A_54 : i32 to vector<64x256xi32>
    %select_n3A_56 = arith.select %lt3A_52, %broadcast_in_dim3A_55, %select_n3A_43 : vector<64x256xi1>, vector<64x256xi32>
    %slice3A_57 = vector.extract_strided_slice %dot_general3A_10 {offsets = [256, 0], sizes = [64, 256], strides = [1, 1]} : vector<8192x256xf32> to vector<64x256xf32>
    %add3A_58 = vector.broadcast %transpose3A : vector<1x256xf32> to vector<64x256xf32>
    %add3A_59 = arith.addf %add3A_58, %slice3A_57 : vector<64x256xf32>
    %get3A_60 = arith.constant 256 : index
    %get3A_61 = arith.constant 0 : index
    %get3A_62 = vector.load %arg4[%get3A_60, %get3A_61] : memref<8192x1xf32, #tpu.memory_space<vmem>>, vector<64x1xf32>
    %add3A_63 = vector.broadcast %get3A_62 : vector<64x1xf32> to vector<64x256xf32>
    %add3A_64 = arith.addf %add3A_59, %add3A_63 : vector<64x256xf32>
    %lt3A_65 = arith.cmpf olt, %add3A_64, %select_n3A_53 : vector<64x256xf32>
    %select_n3A_66 = arith.select %lt3A_65, %add3A_64, %select_n3A_53 : vector<64x256xi1>, vector<64x256xf32>
    %jit3A_67 = arith.constant 4 : i32
    %broadcast_in_dim3A_68 = vector.broadcast %jit3A_67 : i32 to vector<64x256xi32>
    %select_n3A_69 = arith.select %lt3A_65, %broadcast_in_dim3A_68, %select_n3A_56 : vector<64x256xi1>, vector<64x256xi32>
    %slice3A_70 = vector.extract_strided_slice %dot_general3A_10 {offsets = [320, 0], sizes = [64, 256], strides = [1, 1]} : vector<8192x256xf32> to vector<64x256xf32>
    %add3A_71 = vector.broadcast %transpose3A : vector<1x256xf32> to vector<64x256xf32>
    %add3A_72 = arith.addf %add3A_71, %slice3A_70 : vector<64x256xf32>
    %get3A_73 = arith.constant 320 : index
    %get3A_74 = arith.constant 0 : index
    %get3A_75 = vector.load %arg4[%get3A_73, %get3A_74] : memref<8192x1xf32, #tpu.memory_space<vmem>>, vector<64x1xf32>
    %add3A_76 = vector.broadcast %get3A_75 : vector<64x1xf32> to vector<64x256xf32>
    %add3A_77 = arith.addf %add3A_72, %add3A_76 : vector<64x256xf32>
    %lt3A_78 = arith.cmpf olt, %add3A_77, %select_n3A_66 : vector<64x256xf32>
    %select_n3A_79 = arith.select %lt3A_78, %add3A_77, %select_n3A_66 : vector<64x256xi1>, vector<64x256xf32>
    %jit3A_80 = arith.constant 5 : i32
    %broadcast_in_dim3A_81 = vector.broadcast %jit3A_80 : i32 to vector<64x256xi32>
    %select_n3A_82 = arith.select %lt3A_78, %broadcast_in_dim3A_81, %select_n3A_69 : vector<64x256xi1>, vector<64x256xi32>
    %slice3A_83 = vector.extract_strided_slice %dot_general3A_10 {offsets = [384, 0], sizes = [64, 256], strides = [1, 1]} : vector<8192x256xf32> to vector<64x256xf32>
    %add3A_84 = vector.broadcast %transpose3A : vector<1x256xf32> to vector<64x256xf32>
    %add3A_85 = arith.addf %add3A_84, %slice3A_83 : vector<64x256xf32>
    %get3A_86 = arith.constant 384 : index
    %get3A_87 = arith.constant 0 : index
    %get3A_88 = vector.load %arg4[%get3A_86, %get3A_87] : memref<8192x1xf32, #tpu.memory_space<vmem>>, vector<64x1xf32>
    %add3A_89 = vector.broadcast %get3A_88 : vector<64x1xf32> to vector<64x256xf32>
    %add3A_90 = arith.addf %add3A_85, %add3A_89 : vector<64x256xf32>
    %lt3A_91 = arith.cmpf olt, %add3A_90, %select_n3A_79 : vector<64x256xf32>
    %select_n3A_92 = arith.select %lt3A_91, %add3A_90, %select_n3A_79 : vector<64x256xi1>, vector<64x256xf32>
    %jit3A_93 = arith.constant 6 : i32
    %broadcast_in_dim3A_94 = vector.broadcast %jit3A_93 : i32 to vector<64x256xi32>
    %select_n3A_95 = arith.select %lt3A_91, %broadcast_in_dim3A_94, %select_n3A_82 : vector<64x256xi1>, vector<64x256xi32>
    %slice3A_96 = vector.extract_strided_slice %dot_general3A_10 {offsets = [448, 0], sizes = [64, 256], strides = [1, 1]} : vector<8192x256xf32> to vector<64x256xf32>
    %add3A_97 = vector.broadcast %transpose3A : vector<1x256xf32> to vector<64x256xf32>
    %add3A_98 = arith.addf %add3A_97, %slice3A_96 : vector<64x256xf32>
    %get3A_99 = arith.constant 448 : index
    %get3A_100 = arith.constant 0 : index
    %get3A_101 = vector.load %arg4[%get3A_99, %get3A_100] : memref<8192x1xf32, #tpu.memory_space<vmem>>, vector<64x1xf32>
    %add3A_102 = vector.broadcast %get3A_101 : vector<64x1xf32> to vector<64x256xf32>
    %add3A_103 = arith.addf %add3A_98, %add3A_102 : vector<64x256xf32>
    %lt3A_104 = arith.cmpf olt, %add3A_103, %select_n3A_92 : vector<64x256xf32>
    %select_n3A_105 = arith.select %lt3A_104, %add3A_103, %select_n3A_92 : vector<64x256xi1>, vector<64x256xf32>
    %jit3A_106 = arith.constant 7 : i32
    %broadcast_in_dim3A_107 = vector.broadcast %jit3A_106 : i32 to vector<64x256xi32>
    %select_n3A_108 = arith.select %lt3A_104, %broadcast_in_dim3A_107, %select_n3A_95 : vector<64x256xi1>, vector<64x256xi32>
    %slice3A_109 = vector.extract_strided_slice %dot_general3A_10 {offsets = [512, 0], sizes = [64, 256], strides = [1, 1]} : vector<8192x256xf32> to vector<64x256xf32>
    %add3A_110 = vector.broadcast %transpose3A : vector<1x256xf32> to vector<64x256xf32>
    %add3A_111 = arith.addf %add3A_110, %slice3A_109 : vector<64x256xf32>
    %get3A_112 = arith.constant 512 : index
    %get3A_113 = arith.constant 0 : index
    %get3A_114 = vector.load %arg4[%get3A_112, %get3A_113] : memref<8192x1xf32, #tpu.memory_space<vmem>>, vector<64x1xf32>
    %add3A_115 = vector.broadcast %get3A_114 : vector<64x1xf32> to vector<64x256xf32>
    %add3A_116 = arith.addf %add3A_111, %add3A_115 : vector<64x256xf32>
    %lt3A_117 = arith.cmpf olt, %add3A_116, %select_n3A_105 : vector<64x256xf32>
    %select_n3A_118 = arith.select %lt3A_117, %add3A_116, %select_n3A_105 : vector<64x256xi1>, vector<64x256xf32>
    %jit3A_119 = arith.constant 8 : i32
    %broadcast_in_dim3A_120 = vector.broadcast %jit3A_119 : i32 to vector<64x256xi32>
    %select_n3A_121 = arith.select %lt3A_117, %broadcast_in_dim3A_120, %select_n3A_108 : vector<64x256xi1>, vector<64x256xi32>
    %slice3A_122 = vector.extract_strided_slice %dot_general3A_10 {offsets = [576, 0], sizes = [64, 256], strides = [1, 1]} : vector<8192x256xf32> to vector<64x256xf32>
    %add3A_123 = vector.broadcast %transpose3A : vector<1x256xf32> to vector<64x256xf32>
    %add3A_124 = arith.addf %add3A_123, %slice3A_122 : vector<64x256xf32>
    %get3A_125 = arith.constant 576 : index
    %get3A_126 = arith.constant 0 : index
    %get3A_127 = vector.load %arg4[%get3A_125, %get3A_126] : memref<8192x1xf32, #tpu.memory_space<vmem>>, vector<64x1xf32>
    %add3A_128 = vector.broadcast %get3A_127 : vector<64x1xf32> to vector<64x256xf32>
    %add3A_129 = arith.addf %add3A_124, %add3A_128 : vector<64x256xf32>
    %lt3A_130 = arith.cmpf olt, %add3A_129, %select_n3A_118 : vector<64x256xf32>
    %select_n3A_131 = arith.select %lt3A_130, %add3A_129, %select_n3A_118 : vector<64x256xi1>, vector<64x256xf32>
    %jit3A_132 = arith.constant 9 : i32
    %broadcast_in_dim3A_133 = vector.broadcast %jit3A_132 : i32 to vector<64x256xi32>
    %select_n3A_134 = arith.select %lt3A_130, %broadcast_in_dim3A_133, %select_n3A_121 : vector<64x256xi1>, vector<64x256xi32>
    %slice3A_135 = vector.extract_strided_slice %dot_general3A_10 {offsets = [640, 0], sizes = [64, 256], strides = [1, 1]} : vector<8192x256xf32> to vector<64x256xf32>
    %add3A_136 = vector.broadcast %transpose3A : vector<1x256xf32> to vector<64x256xf32>
    %add3A_137 = arith.addf %add3A_136, %slice3A_135 : vector<64x256xf32>
    %get3A_138 = arith.constant 640 : index
    %get3A_139 = arith.constant 0 : index
    %get3A_140 = vector.load %arg4[%get3A_138, %get3A_139] : memref<8192x1xf32, #tpu.memory_space<vmem>>, vector<64x1xf32>
    %add3A_141 = vector.broadcast %get3A_140 : vector<64x1xf32> to vector<64x256xf32>
    %add3A_142 = arith.addf %add3A_137, %add3A_141 : vector<64x256xf32>
    %lt3A_143 = arith.cmpf olt, %add3A_142, %select_n3A_131 : vector<64x256xf32>
    %select_n3A_144 = arith.select %lt3A_143, %add3A_142, %select_n3A_131 : vector<64x256xi1>, vector<64x256xf32>
    %jit3A_145 = arith.constant 10 : i32
    %broadcast_in_dim3A_146 = vector.broadcast %jit3A_145 : i32 to vector<64x256xi32>
    %select_n3A_147 = arith.select %lt3A_143, %broadcast_in_dim3A_146, %select_n3A_134 : vector<64x256xi1>, vector<64x256xi32>
    %slice3A_148 = vector.extract_strided_slice %dot_general3A_10 {offsets = [704, 0], sizes = [64, 256], strides = [1, 1]} : vector<8192x256xf32> to vector<64x256xf32>
    %add3A_149 = vector.broadcast %transpose3A : vector<1x256xf32> to vector<64x256xf32>
    %add3A_150 = arith.addf %add3A_149, %slice3A_148 : vector<64x256xf32>
    %get3A_151 = arith.constant 704 : index
    %get3A_152 = arith.constant 0 : index
    %get3A_153 = vector.load %arg4[%get3A_151, %get3A_152] : memref<8192x1xf32, #tpu.memory_space<vmem>>, vector<64x1xf32>
    %add3A_154 = vector.broadcast %get3A_153 : vector<64x1xf32> to vector<64x256xf32>
    %add3A_155 = arith.addf %add3A_150, %add3A_154 : vector<64x256xf32>
    %lt3A_156 = arith.cmpf olt, %add3A_155, %select_n3A_144 : vector<64x256xf32>
    %select_n3A_157 = arith.select %lt3A_156, %add3A_155, %select_n3A_144 : vector<64x256xi1>, vector<64x256xf32>
    %jit3A_158 = arith.constant 11 : i32
    %broadcast_in_dim3A_159 = vector.broadcast %jit3A_158 : i32 to vector<64x256xi32>
    %select_n3A_160 = arith.select %lt3A_156, %broadcast_in_dim3A_159, %select_n3A_147 : vector<64x256xi1>, vector<64x256xi32>
    %slice3A_161 = vector.extract_strided_slice %dot_general3A_10 {offsets = [768, 0], sizes = [64, 256], strides = [1, 1]} : vector<8192x256xf32> to vector<64x256xf32>
    %add3A_162 = vector.broadcast %transpose3A : vector<1x256xf32> to vector<64x256xf32>
    %add3A_163 = arith.addf %add3A_162, %slice3A_161 : vector<64x256xf32>
    %get3A_164 = arith.constant 768 : index
    %get3A_165 = arith.constant 0 : index
    %get3A_166 = vector.load %arg4[%get3A_164, %get3A_165] : memref<8192x1xf32, #tpu.memory_space<vmem>>, vector<64x1xf32>
    %add3A_167 = vector.broadcast %get3A_166 : vector<64x1xf32> to vector<64x256xf32>
    %add3A_168 = arith.addf %add3A_163, %add3A_167 : vector<64x256xf32>
    %lt3A_169 = arith.cmpf olt, %add3A_168, %select_n3A_157 : vector<64x256xf32>
    %select_n3A_170 = arith.select %lt3A_169, %add3A_168, %select_n3A_157 : vector<64x256xi1>, vector<64x256xf32>
    %jit3A_171 = arith.constant 12 : i32
    %broadcast_in_dim3A_172 = vector.broadcast %jit3A_171 : i32 to vector<64x256xi32>
    %select_n3A_173 = arith.select %lt3A_169, %broadcast_in_dim3A_172, %select_n3A_160 : vector<64x256xi1>, vector<64x256xi32>
    %slice3A_174 = vector.extract_strided_slice %dot_general3A_10 {offsets = [832, 0], sizes = [64, 256], strides = [1, 1]} : vector<8192x256xf32> to vector<64x256xf32>
    %add3A_175 = vector.broadcast %transpose3A : vector<1x256xf32> to vector<64x256xf32>
    %add3A_176 = arith.addf %add3A_175, %slice3A_174 : vector<64x256xf32>
    %get3A_177 = arith.constant 832 : index
    %get3A_178 = arith.constant 0 : index
    %get3A_179 = vector.load %arg4[%get3A_177, %get3A_178] : memref<8192x1xf32, #tpu.memory_space<vmem>>, vector<64x1xf32>
    %add3A_180 = vector.broadcast %get3A_179 : vector<64x1xf32> to vector<64x256xf32>
    %add3A_181 = arith.addf %add3A_176, %add3A_180 : vector<64x256xf32>
    %lt3A_182 = arith.cmpf olt, %add3A_181, %select_n3A_170 : vector<64x256xf32>
    %select_n3A_183 = arith.select %lt3A_182, %add3A_181, %select_n3A_170 : vector<64x256xi1>, vector<64x256xf32>
    %jit3A_184 = arith.constant 13 : i32
    %broadcast_in_dim3A_185 = vector.broadcast %jit3A_184 : i32 to vector<64x256xi32>
    %select_n3A_186 = arith.select %lt3A_182, %broadcast_in_dim3A_185, %select_n3A_173 : vector<64x256xi1>, vector<64x256xi32>
    %slice3A_187 = vector.extract_strided_slice %dot_general3A_10 {offsets = [896, 0], sizes = [64, 256], strides = [1, 1]} : vector<8192x256xf32> to vector<64x256xf32>
    %add3A_188 = vector.broadcast %transpose3A : vector<1x256xf32> to vector<64x256xf32>
    %add3A_189 = arith.addf %add3A_188, %slice3A_187 : vector<64x256xf32>
    %get3A_190 = arith.constant 896 : index
    %get3A_191 = arith.constant 0 : index
    %get3A_192 = vector.load %arg4[%get3A_190, %get3A_191] : memref<8192x1xf32, #tpu.memory_space<vmem>>, vector<64x1xf32>
    %add3A_193 = vector.broadcast %get3A_192 : vector<64x1xf32> to vector<64x256xf32>
    %add3A_194 = arith.addf %add3A_189, %add3A_193 : vector<64x256xf32>
    %lt3A_195 = arith.cmpf olt, %add3A_194, %select_n3A_183 : vector<64x256xf32>
    %select_n3A_196 = arith.select %lt3A_195, %add3A_194, %select_n3A_183 : vector<64x256xi1>, vector<64x256xf32>
    %jit3A_197 = arith.constant 14 : i32
    %broadcast_in_dim3A_198 = vector.broadcast %jit3A_197 : i32 to vector<64x256xi32>
    %select_n3A_199 = arith.select %lt3A_195, %broadcast_in_dim3A_198, %select_n3A_186 : vector<64x256xi1>, vector<64x256xi32>
    %slice3A_200 = vector.extract_strided_slice %dot_general3A_10 {offsets = [960, 0], sizes = [64, 256], strides = [1, 1]} : vector<8192x256xf32> to vector<64x256xf32>
    %add3A_201 = vector.broadcast %transpose3A : vector<1x256xf32> to vector<64x256xf32>
    %add3A_202 = arith.addf %add3A_201, %slice3A_200 : vector<64x256xf32>
    %get3A_203 = arith.constant 960 : index
    %get3A_204 = arith.constant 0 : index
    %get3A_205 = vector.load %arg4[%get3A_203, %get3A_204] : memref<8192x1xf32, #tpu.memory_space<vmem>>, vector<64x1xf32>
    %add3A_206 = vector.broadcast %get3A_205 : vector<64x1xf32> to vector<64x256xf32>
    %add3A_207 = arith.addf %add3A_202, %add3A_206 : vector<64x256xf32>
    %lt3A_208 = arith.cmpf olt, %add3A_207, %select_n3A_196 : vector<64x256xf32>
    %select_n3A_209 = arith.select %lt3A_208, %add3A_207, %select_n3A_196 : vector<64x256xi1>, vector<64x256xf32>
    %jit3A_210 = arith.constant 15 : i32
    %broadcast_in_dim3A_211 = vector.broadcast %jit3A_210 : i32 to vector<64x256xi32>
    %select_n3A_212 = arith.select %lt3A_208, %broadcast_in_dim3A_211, %select_n3A_199 : vector<64x256xi1>, vector<64x256xi32>
    %slice3A_213 = vector.extract_strided_slice %dot_general3A_10 {offsets = [1024, 0], sizes = [64, 256], strides = [1, 1]} : vector<8192x256xf32> to vector<64x256xf32>
    %add3A_214 = vector.broadcast %transpose3A : vector<1x256xf32> to vector<64x256xf32>
    %add3A_215 = arith.addf %add3A_214, %slice3A_213 : vector<64x256xf32>
    %get3A_216 = arith.constant 1024 : index
    %get3A_217 = arith.constant 0 : index
    %get3A_218 = vector.load %arg4[%get3A_216, %get3A_217] : memref<8192x1xf32, #tpu.memory_space<vmem>>, vector<64x1xf32>
    %add3A_219 = vector.broadcast %get3A_218 : vector<64x1xf32> to vector<64x256xf32>
    %add3A_220 = arith.addf %add3A_215, %add3A_219 : vector<64x256xf32>
    %lt3A_221 = arith.cmpf olt, %add3A_220, %select_n3A_209 : vector<64x256xf32>
    %select_n3A_222 = arith.select %lt3A_221, %add3A_220, %select_n3A_209 : vector<64x256xi1>, vector<64x256xf32>
    %jit3A_223 = arith.constant 16 : i32
    %broadcast_in_dim3A_224 = vector.broadcast %jit3A_223 : i32 to vector<64x256xi32>
    %select_n3A_225 = arith.select %lt3A_221, %broadcast_in_dim3A_224, %select_n3A_212 : vector<64x256xi1>, vector<64x256xi32>
    %slice3A_226 = vector.extract_strided_slice %dot_general3A_10 {offsets = [1088, 0], sizes = [64, 256], strides = [1, 1]} : vector<8192x256xf32> to vector<64x256xf32>
    %add3A_227 = vector.broadcast %transpose3A : vector<1x256xf32> to vector<64x256xf32>
    %add3A_228 = arith.addf %add3A_227, %slice3A_226 : vector<64x256xf32>
    %get3A_229 = arith.constant 1088 : index
    %get3A_230 = arith.constant 0 : index
    %get3A_231 = vector.load %arg4[%get3A_229, %get3A_230] : memref<8192x1xf32, #tpu.memory_space<vmem>>, vector<64x1xf32>
    %add3A_232 = vector.broadcast %get3A_231 : vector<64x1xf32> to vector<64x256xf32>
    %add3A_233 = arith.addf %add3A_228, %add3A_232 : vector<64x256xf32>
    %lt3A_234 = arith.cmpf olt, %add3A_233, %select_n3A_222 : vector<64x256xf32>
    %select_n3A_235 = arith.select %lt3A_234, %add3A_233, %select_n3A_222 : vector<64x256xi1>, vector<64x256xf32>
    %jit3A_236 = arith.constant 17 : i32
    %broadcast_in_dim3A_237 = vector.broadcast %jit3A_236 : i32 to vector<64x256xi32>
    %select_n3A_238 = arith.select %lt3A_234, %broadcast_in_dim3A_237, %select_n3A_225 : vector<64x256xi1>, vector<64x256xi32>
    %slice3A_239 = vector.extract_strided_slice %dot_general3A_10 {offsets = [1152, 0], sizes = [64, 256], strides = [1, 1]} : vector<8192x256xf32> to vector<64x256xf32>
    %add3A_240 = vector.broadcast %transpose3A : vector<1x256xf32> to vector<64x256xf32>
    %add3A_241 = arith.addf %add3A_240, %slice3A_239 : vector<64x256xf32>
    %get3A_242 = arith.constant 1152 : index
    %get3A_243 = arith.constant 0 : index
    %get3A_244 = vector.load %arg4[%get3A_242, %get3A_243] : memref<8192x1xf32, #tpu.memory_space<vmem>>, vector<64x1xf32>
    %add3A_245 = vector.broadcast %get3A_244 : vector<64x1xf32> to vector<64x256xf32>
    %add3A_246 = arith.addf %add3A_241, %add3A_245 : vector<64x256xf32>
    %lt3A_247 = arith.cmpf olt, %add3A_246, %select_n3A_235 : vector<64x256xf32>
    %select_n3A_248 = arith.select %lt3A_247, %add3A_246, %select_n3A_235 : vector<64x256xi1>, vector<64x256xf32>
    %jit3A_249 = arith.constant 18 : i32
    %broadcast_in_dim3A_250 = vector.broadcast %jit3A_249 : i32 to vector<64x256xi32>
    %select_n3A_251 = arith.select %lt3A_247, %broadcast_in_dim3A_250, %select_n3A_238 : vector<64x256xi1>, vector<64x256xi32>
    %slice3A_252 = vector.extract_strided_slice %dot_general3A_10 {offsets = [1216, 0], sizes = [64, 256], strides = [1, 1]} : vector<8192x256xf32> to vector<64x256xf32>
    %add3A_253 = vector.broadcast %transpose3A : vector<1x256xf32> to vector<64x256xf32>
    %add3A_254 = arith.addf %add3A_253, %slice3A_252 : vector<64x256xf32>
    %get3A_255 = arith.constant 1216 : index
    %get3A_256 = arith.constant 0 : index
    %get3A_257 = vector.load %arg4[%get3A_255, %get3A_256] : memref<8192x1xf32, #tpu.memory_space<vmem>>, vector<64x1xf32>
    %add3A_258 = vector.broadcast %get3A_257 : vector<64x1xf32> to vector<64x256xf32>
    %add3A_259 = arith.addf %add3A_254, %add3A_258 : vector<64x256xf32>
    %lt3A_260 = arith.cmpf olt, %add3A_259, %select_n3A_248 : vector<64x256xf32>
    %select_n3A_261 = arith.select %lt3A_260, %add3A_259, %select_n3A_248 : vector<64x256xi1>, vector<64x256xf32>
    %jit3A_262 = arith.constant 19 : i32
    %broadcast_in_dim3A_263 = vector.broadcast %jit3A_262 : i32 to vector<64x256xi32>
    %select_n3A_264 = arith.select %lt3A_260, %broadcast_in_dim3A_263, %select_n3A_251 : vector<64x256xi1>, vector<64x256xi32>
    %slice3A_265 = vector.extract_strided_slice %dot_general3A_10 {offsets = [1280, 0], sizes = [64, 256], strides = [1, 1]} : vector<8192x256xf32> to vector<64x256xf32>
    %add3A_266 = vector.broadcast %transpose3A : vector<1x256xf32> to vector<64x256xf32>
    %add3A_267 = arith.addf %add3A_266, %slice3A_265 : vector<64x256xf32>
    %get3A_268 = arith.constant 1280 : index
    %get3A_269 = arith.constant 0 : index
    %get3A_270 = vector.load %arg4[%get3A_268, %get3A_269] : memref<8192x1xf32, #tpu.memory_space<vmem>>, vector<64x1xf32>
    %add3A_271 = vector.broadcast %get3A_270 : vector<64x1xf32> to vector<64x256xf32>
    %add3A_272 = arith.addf %add3A_267, %add3A_271 : vector<64x256xf32>
    %lt3A_273 = arith.cmpf olt, %add3A_272, %select_n3A_261 : vector<64x256xf32>
    %select_n3A_274 = arith.select %lt3A_273, %add3A_272, %select_n3A_261 : vector<64x256xi1>, vector<64x256xf32>
    %jit3A_275 = arith.constant 20 : i32
    %broadcast_in_dim3A_276 = vector.broadcast %jit3A_275 : i32 to vector<64x256xi32>
    %select_n3A_277 = arith.select %lt3A_273, %broadcast_in_dim3A_276, %select_n3A_264 : vector<64x256xi1>, vector<64x256xi32>
    %slice3A_278 = vector.extract_strided_slice %dot_general3A_10 {offsets = [1344, 0], sizes = [64, 256], strides = [1, 1]} : vector<8192x256xf32> to vector<64x256xf32>
    %add3A_279 = vector.broadcast %transpose3A : vector<1x256xf32> to vector<64x256xf32>
    %add3A_280 = arith.addf %add3A_279, %slice3A_278 : vector<64x256xf32>
    %get3A_281 = arith.constant 1344 : index
    %get3A_282 = arith.constant 0 : index
    %get3A_283 = vector.load %arg4[%get3A_281, %get3A_282] : memref<8192x1xf32, #tpu.memory_space<vmem>>, vector<64x1xf32>
    %add3A_284 = vector.broadcast %get3A_283 : vector<64x1xf32> to vector<64x256xf32>
    %add3A_285 = arith.addf %add3A_280, %add3A_284 : vector<64x256xf32>
    %lt3A_286 = arith.cmpf olt, %add3A_285, %select_n3A_274 : vector<64x256xf32>
    %select_n3A_287 = arith.select %lt3A_286, %add3A_285, %select_n3A_274 : vector<64x256xi1>, vector<64x256xf32>
    %jit3A_288 = arith.constant 21 : i32
    %broadcast_in_dim3A_289 = vector.broadcast %jit3A_288 : i32 to vector<64x256xi32>
    %select_n3A_290 = arith.select %lt3A_286, %broadcast_in_dim3A_289, %select_n3A_277 : vector<64x256xi1>, vector<64x256xi32>
    %slice3A_291 = vector.extract_strided_slice %dot_general3A_10 {offsets = [1408, 0], sizes = [64, 256], strides = [1, 1]} : vector<8192x256xf32> to vector<64x256xf32>
    %add3A_292 = vector.broadcast %transpose3A : vector<1x256xf32> to vector<64x256xf32>
    %add3A_293 = arith.addf %add3A_292, %slice3A_291 : vector<64x256xf32>
    %get3A_294 = arith.constant 1408 : index
    %get3A_295 = arith.constant 0 : index
    %get3A_296 = vector.load %arg4[%get3A_294, %get3A_295] : memref<8192x1xf32, #tpu.memory_space<vmem>>, vector<64x1xf32>
    %add3A_297 = vector.broadcast %get3A_296 : vector<64x1xf32> to vector<64x256xf32>
    %add3A_298 = arith.addf %add3A_293, %add3A_297 : vector<64x256xf32>
    %lt3A_299 = arith.cmpf olt, %add3A_298, %select_n3A_287 : vector<64x256xf32>
    %select_n3A_300 = arith.select %lt3A_299, %add3A_298, %select_n3A_287 : vector<64x256xi1>, vector<64x256xf32>
    %jit3A_301 = arith.constant 22 : i32
    %broadcast_in_dim3A_302 = vector.broadcast %jit3A_301 : i32 to vector<64x256xi32>
    %select_n3A_303 = arith.select %lt3A_299, %broadcast_in_dim3A_302, %select_n3A_290 : vector<64x256xi1>, vector<64x256xi32>
    %slice3A_304 = vector.extract_strided_slice %dot_general3A_10 {offsets = [1472, 0], sizes = [64, 256], strides = [1, 1]} : vector<8192x256xf32> to vector<64x256xf32>
    %add3A_305 = vector.broadcast %transpose3A : vector<1x256xf32> to vector<64x256xf32>
    %add3A_306 = arith.addf %add3A_305, %slice3A_304 : vector<64x256xf32>
    %get3A_307 = arith.constant 1472 : index
    %get3A_308 = arith.constant 0 : index
    %get3A_309 = vector.load %arg4[%get3A_307, %get3A_308] : memref<8192x1xf32, #tpu.memory_space<vmem>>, vector<64x1xf32>
    %add3A_310 = vector.broadcast %get3A_309 : vector<64x1xf32> to vector<64x256xf32>
    %add3A_311 = arith.addf %add3A_306, %add3A_310 : vector<64x256xf32>
    %lt3A_312 = arith.cmpf olt, %add3A_311, %select_n3A_300 : vector<64x256xf32>
    %select_n3A_313 = arith.select %lt3A_312, %add3A_311, %select_n3A_300 : vector<64x256xi1>, vector<64x256xf32>
    %jit3A_314 = arith.constant 23 : i32
    %broadcast_in_dim3A_315 = vector.broadcast %jit3A_314 : i32 to vector<64x256xi32>
    %select_n3A_316 = arith.select %lt3A_312, %broadcast_in_dim3A_315, %select_n3A_303 : vector<64x256xi1>, vector<64x256xi32>
    %slice3A_317 = vector.extract_strided_slice %dot_general3A_10 {offsets = [1536, 0], sizes = [64, 256], strides = [1, 1]} : vector<8192x256xf32> to vector<64x256xf32>
    %add3A_318 = vector.broadcast %transpose3A : vector<1x256xf32> to vector<64x256xf32>
    %add3A_319 = arith.addf %add3A_318, %slice3A_317 : vector<64x256xf32>
    %get3A_320 = arith.constant 1536 : index
    %get3A_321 = arith.constant 0 : index
    %get3A_322 = vector.load %arg4[%get3A_320, %get3A_321] : memref<8192x1xf32, #tpu.memory_space<vmem>>, vector<64x1xf32>
    %add3A_323 = vector.broadcast %get3A_322 : vector<64x1xf32> to vector<64x256xf32>
    %add3A_324 = arith.addf %add3A_319, %add3A_323 : vector<64x256xf32>
    %lt3A_325 = arith.cmpf olt, %add3A_324, %select_n3A_313 : vector<64x256xf32>
    %select_n3A_326 = arith.select %lt3A_325, %add3A_324, %select_n3A_313 : vector<64x256xi1>, vector<64x256xf32>
    %jit3A_327 = arith.constant 24 : i32
    %broadcast_in_dim3A_328 = vector.broadcast %jit3A_327 : i32 to vector<64x256xi32>
    %select_n3A_329 = arith.select %lt3A_325, %broadcast_in_dim3A_328, %select_n3A_316 : vector<64x256xi1>, vector<64x256xi32>
    %slice3A_330 = vector.extract_strided_slice %dot_general3A_10 {offsets = [1600, 0], sizes = [64, 256], strides = [1, 1]} : vector<8192x256xf32> to vector<64x256xf32>
    %add3A_331 = vector.broadcast %transpose3A : vector<1x256xf32> to vector<64x256xf32>
    %add3A_332 = arith.addf %add3A_331, %slice3A_330 : vector<64x256xf32>
    %get3A_333 = arith.constant 1600 : index
    %get3A_334 = arith.constant 0 : index
    %get3A_335 = vector.load %arg4[%get3A_333, %get3A_334] : memref<8192x1xf32, #tpu.memory_space<vmem>>, vector<64x1xf32>
    %add3A_336 = vector.broadcast %get3A_335 : vector<64x1xf32> to vector<64x256xf32>
    %add3A_337 = arith.addf %add3A_332, %add3A_336 : vector<64x256xf32>
    %lt3A_338 = arith.cmpf olt, %add3A_337, %select_n3A_326 : vector<64x256xf32>
    %select_n3A_339 = arith.select %lt3A_338, %add3A_337, %select_n3A_326 : vector<64x256xi1>, vector<64x256xf32>
    %jit3A_340 = arith.constant 25 : i32
    %broadcast_in_dim3A_341 = vector.broadcast %jit3A_340 : i32 to vector<64x256xi32>
    %select_n3A_342 = arith.select %lt3A_338, %broadcast_in_dim3A_341, %select_n3A_329 : vector<64x256xi1>, vector<64x256xi32>
    %slice3A_343 = vector.extract_strided_slice %dot_general3A_10 {offsets = [1664, 0], sizes = [64, 256], strides = [1, 1]} : vector<8192x256xf32> to vector<64x256xf32>
    %add3A_344 = vector.broadcast %transpose3A : vector<1x256xf32> to vector<64x256xf32>
    %add3A_345 = arith.addf %add3A_344, %slice3A_343 : vector<64x256xf32>
    %get3A_346 = arith.constant 1664 : index
    %get3A_347 = arith.constant 0 : index
    %get3A_348 = vector.load %arg4[%get3A_346, %get3A_347] : memref<8192x1xf32, #tpu.memory_space<vmem>>, vector<64x1xf32>
    %add3A_349 = vector.broadcast %get3A_348 : vector<64x1xf32> to vector<64x256xf32>
    %add3A_350 = arith.addf %add3A_345, %add3A_349 : vector<64x256xf32>
    %lt3A_351 = arith.cmpf olt, %add3A_350, %select_n3A_339 : vector<64x256xf32>
    %select_n3A_352 = arith.select %lt3A_351, %add3A_350, %select_n3A_339 : vector<64x256xi1>, vector<64x256xf32>
    %jit3A_353 = arith.constant 26 : i32
    %broadcast_in_dim3A_354 = vector.broadcast %jit3A_353 : i32 to vector<64x256xi32>
    %select_n3A_355 = arith.select %lt3A_351, %broadcast_in_dim3A_354, %select_n3A_342 : vector<64x256xi1>, vector<64x256xi32>
    %slice3A_356 = vector.extract_strided_slice %dot_general3A_10 {offsets = [1728, 0], sizes = [64, 256], strides = [1, 1]} : vector<8192x256xf32> to vector<64x256xf32>
    %add3A_357 = vector.broadcast %transpose3A : vector<1x256xf32> to vector<64x256xf32>
    %add3A_358 = arith.addf %add3A_357, %slice3A_356 : vector<64x256xf32>
    %get3A_359 = arith.constant 1728 : index
    %get3A_360 = arith.constant 0 : index
    %get3A_361 = vector.load %arg4[%get3A_359, %get3A_360] : memref<8192x1xf32, #tpu.memory_space<vmem>>, vector<64x1xf32>
    %add3A_362 = vector.broadcast %get3A_361 : vector<64x1xf32> to vector<64x256xf32>
    %add3A_363 = arith.addf %add3A_358, %add3A_362 : vector<64x256xf32>
    %lt3A_364 = arith.cmpf olt, %add3A_363, %select_n3A_352 : vector<64x256xf32>
    %select_n3A_365 = arith.select %lt3A_364, %add3A_363, %select_n3A_352 : vector<64x256xi1>, vector<64x256xf32>
    %jit3A_366 = arith.constant 27 : i32
    %broadcast_in_dim3A_367 = vector.broadcast %jit3A_366 : i32 to vector<64x256xi32>
    %select_n3A_368 = arith.select %lt3A_364, %broadcast_in_dim3A_367, %select_n3A_355 : vector<64x256xi1>, vector<64x256xi32>
    %slice3A_369 = vector.extract_strided_slice %dot_general3A_10 {offsets = [1792, 0], sizes = [64, 256], strides = [1, 1]} : vector<8192x256xf32> to vector<64x256xf32>
    %add3A_370 = vector.broadcast %transpose3A : vector<1x256xf32> to vector<64x256xf32>
    %add3A_371 = arith.addf %add3A_370, %slice3A_369 : vector<64x256xf32>
    %get3A_372 = arith.constant 1792 : index
    %get3A_373 = arith.constant 0 : index
    %get3A_374 = vector.load %arg4[%get3A_372, %get3A_373] : memref<8192x1xf32, #tpu.memory_space<vmem>>, vector<64x1xf32>
    %add3A_375 = vector.broadcast %get3A_374 : vector<64x1xf32> to vector<64x256xf32>
    %add3A_376 = arith.addf %add3A_371, %add3A_375 : vector<64x256xf32>
    %lt3A_377 = arith.cmpf olt, %add3A_376, %select_n3A_365 : vector<64x256xf32>
    %select_n3A_378 = arith.select %lt3A_377, %add3A_376, %select_n3A_365 : vector<64x256xi1>, vector<64x256xf32>
    %jit3A_379 = arith.constant 28 : i32
    %broadcast_in_dim3A_380 = vector.broadcast %jit3A_379 : i32 to vector<64x256xi32>
    %select_n3A_381 = arith.select %lt3A_377, %broadcast_in_dim3A_380, %select_n3A_368 : vector<64x256xi1>, vector<64x256xi32>
    %slice3A_382 = vector.extract_strided_slice %dot_general3A_10 {offsets = [1856, 0], sizes = [64, 256], strides = [1, 1]} : vector<8192x256xf32> to vector<64x256xf32>
    %add3A_383 = vector.broadcast %transpose3A : vector<1x256xf32> to vector<64x256xf32>
    %add3A_384 = arith.addf %add3A_383, %slice3A_382 : vector<64x256xf32>
    %get3A_385 = arith.constant 1856 : index
    %get3A_386 = arith.constant 0 : index
    %get3A_387 = vector.load %arg4[%get3A_385, %get3A_386] : memref<8192x1xf32, #tpu.memory_space<vmem>>, vector<64x1xf32>
    %add3A_388 = vector.broadcast %get3A_387 : vector<64x1xf32> to vector<64x256xf32>
    %add3A_389 = arith.addf %add3A_384, %add3A_388 : vector<64x256xf32>
    %lt3A_390 = arith.cmpf olt, %add3A_389, %select_n3A_378 : vector<64x256xf32>
    %select_n3A_391 = arith.select %lt3A_390, %add3A_389, %select_n3A_378 : vector<64x256xi1>, vector<64x256xf32>
    %jit3A_392 = arith.constant 29 : i32
    %broadcast_in_dim3A_393 = vector.broadcast %jit3A_392 : i32 to vector<64x256xi32>
    %select_n3A_394 = arith.select %lt3A_390, %broadcast_in_dim3A_393, %select_n3A_381 : vector<64x256xi1>, vector<64x256xi32>
    %slice3A_395 = vector.extract_strided_slice %dot_general3A_10 {offsets = [1920, 0], sizes = [64, 256], strides = [1, 1]} : vector<8192x256xf32> to vector<64x256xf32>
    %add3A_396 = vector.broadcast %transpose3A : vector<1x256xf32> to vector<64x256xf32>
    %add3A_397 = arith.addf %add3A_396, %slice3A_395 : vector<64x256xf32>
    %get3A_398 = arith.constant 1920 : index
    %get3A_399 = arith.constant 0 : index
    %get3A_400 = vector.load %arg4[%get3A_398, %get3A_399] : memref<8192x1xf32, #tpu.memory_space<vmem>>, vector<64x1xf32>
    %add3A_401 = vector.broadcast %get3A_400 : vector<64x1xf32> to vector<64x256xf32>
    %add3A_402 = arith.addf %add3A_397, %add3A_401 : vector<64x256xf32>
    %lt3A_403 = arith.cmpf olt, %add3A_402, %select_n3A_391 : vector<64x256xf32>
    %select_n3A_404 = arith.select %lt3A_403, %add3A_402, %select_n3A_391 : vector<64x256xi1>, vector<64x256xf32>
    %jit3A_405 = arith.constant 30 : i32
    %broadcast_in_dim3A_406 = vector.broadcast %jit3A_405 : i32 to vector<64x256xi32>
    %select_n3A_407 = arith.select %lt3A_403, %broadcast_in_dim3A_406, %select_n3A_394 : vector<64x256xi1>, vector<64x256xi32>
    %slice3A_408 = vector.extract_strided_slice %dot_general3A_10 {offsets = [1984, 0], sizes = [64, 256], strides = [1, 1]} : vector<8192x256xf32> to vector<64x256xf32>
    %add3A_409 = vector.broadcast %transpose3A : vector<1x256xf32> to vector<64x256xf32>
    %add3A_410 = arith.addf %add3A_409, %slice3A_408 : vector<64x256xf32>
    %get3A_411 = arith.constant 1984 : index
    %get3A_412 = arith.constant 0 : index
    %get3A_413 = vector.load %arg4[%get3A_411, %get3A_412] : memref<8192x1xf32, #tpu.memory_space<vmem>>, vector<64x1xf32>
    %add3A_414 = vector.broadcast %get3A_413 : vector<64x1xf32> to vector<64x256xf32>
    %add3A_415 = arith.addf %add3A_410, %add3A_414 : vector<64x256xf32>
    %lt3A_416 = arith.cmpf olt, %add3A_415, %select_n3A_404 : vector<64x256xf32>
    %select_n3A_417 = arith.select %lt3A_416, %add3A_415, %select_n3A_404 : vector<64x256xi1>, vector<64x256xf32>
    %jit3A_418 = arith.constant 31 : i32
    %broadcast_in_dim3A_419 = vector.broadcast %jit3A_418 : i32 to vector<64x256xi32>
    %select_n3A_420 = arith.select %lt3A_416, %broadcast_in_dim3A_419, %select_n3A_407 : vector<64x256xi1>, vector<64x256xi32>
    %slice3A_421 = vector.extract_strided_slice %dot_general3A_10 {offsets = [2048, 0], sizes = [64, 256], strides = [1, 1]} : vector<8192x256xf32> to vector<64x256xf32>
    %add3A_422 = vector.broadcast %transpose3A : vector<1x256xf32> to vector<64x256xf32>
    %add3A_423 = arith.addf %add3A_422, %slice3A_421 : vector<64x256xf32>
    %get3A_424 = arith.constant 2048 : index
    %get3A_425 = arith.constant 0 : index
    %get3A_426 = vector.load %arg4[%get3A_424, %get3A_425] : memref<8192x1xf32, #tpu.memory_space<vmem>>, vector<64x1xf32>
    %add3A_427 = vector.broadcast %get3A_426 : vector<64x1xf32> to vector<64x256xf32>
    %add3A_428 = arith.addf %add3A_423, %add3A_427 : vector<64x256xf32>
    %lt3A_429 = arith.cmpf olt, %add3A_428, %select_n3A_417 : vector<64x256xf32>
    %select_n3A_430 = arith.select %lt3A_429, %add3A_428, %select_n3A_417 : vector<64x256xi1>, vector<64x256xf32>
    %jit3A_431 = arith.constant 32 : i32
    %broadcast_in_dim3A_432 = vector.broadcast %jit3A_431 : i32 to vector<64x256xi32>
    %select_n3A_433 = arith.select %lt3A_429, %broadcast_in_dim3A_432, %select_n3A_420 : vector<64x256xi1>, vector<64x256xi32>
    %slice3A_434 = vector.extract_strided_slice %dot_general3A_10 {offsets = [2112, 0], sizes = [64, 256], strides = [1, 1]} : vector<8192x256xf32> to vector<64x256xf32>
    %add3A_435 = vector.broadcast %transpose3A : vector<1x256xf32> to vector<64x256xf32>
    %add3A_436 = arith.addf %add3A_435, %slice3A_434 : vector<64x256xf32>
    %get3A_437 = arith.constant 2112 : index
    %get3A_438 = arith.constant 0 : index
    %get3A_439 = vector.load %arg4[%get3A_437, %get3A_438] : memref<8192x1xf32, #tpu.memory_space<vmem>>, vector<64x1xf32>
    %add3A_440 = vector.broadcast %get3A_439 : vector<64x1xf32> to vector<64x256xf32>
    %add3A_441 = arith.addf %add3A_436, %add3A_440 : vector<64x256xf32>
    %lt3A_442 = arith.cmpf olt, %add3A_441, %select_n3A_430 : vector<64x256xf32>
    %select_n3A_443 = arith.select %lt3A_442, %add3A_441, %select_n3A_430 : vector<64x256xi1>, vector<64x256xf32>
    %jit3A_444 = arith.constant 33 : i32
    %broadcast_in_dim3A_445 = vector.broadcast %jit3A_444 : i32 to vector<64x256xi32>
    %select_n3A_446 = arith.select %lt3A_442, %broadcast_in_dim3A_445, %select_n3A_433 : vector<64x256xi1>, vector<64x256xi32>
    %slice3A_447 = vector.extract_strided_slice %dot_general3A_10 {offsets = [2176, 0], sizes = [64, 256], strides = [1, 1]} : vector<8192x256xf32> to vector<64x256xf32>
    %add3A_448 = vector.broadcast %transpose3A : vector<1x256xf32> to vector<64x256xf32>
    %add3A_449 = arith.addf %add3A_448, %slice3A_447 : vector<64x256xf32>
    %get3A_450 = arith.constant 2176 : index
    %get3A_451 = arith.constant 0 : index
    %get3A_452 = vector.load %arg4[%get3A_450, %get3A_451] : memref<8192x1xf32, #tpu.memory_space<vmem>>, vector<64x1xf32>
    %add3A_453 = vector.broadcast %get3A_452 : vector<64x1xf32> to vector<64x256xf32>
    %add3A_454 = arith.addf %add3A_449, %add3A_453 : vector<64x256xf32>
    %lt3A_455 = arith.cmpf olt, %add3A_454, %select_n3A_443 : vector<64x256xf32>
    %select_n3A_456 = arith.select %lt3A_455, %add3A_454, %select_n3A_443 : vector<64x256xi1>, vector<64x256xf32>
    %jit3A_457 = arith.constant 34 : i32
    %broadcast_in_dim3A_458 = vector.broadcast %jit3A_457 : i32 to vector<64x256xi32>
    %select_n3A_459 = arith.select %lt3A_455, %broadcast_in_dim3A_458, %select_n3A_446 : vector<64x256xi1>, vector<64x256xi32>
    %slice3A_460 = vector.extract_strided_slice %dot_general3A_10 {offsets = [2240, 0], sizes = [64, 256], strides = [1, 1]} : vector<8192x256xf32> to vector<64x256xf32>
    %add3A_461 = vector.broadcast %transpose3A : vector<1x256xf32> to vector<64x256xf32>
    %add3A_462 = arith.addf %add3A_461, %slice3A_460 : vector<64x256xf32>
    %get3A_463 = arith.constant 2240 : index
    %get3A_464 = arith.constant 0 : index
    %get3A_465 = vector.load %arg4[%get3A_463, %get3A_464] : memref<8192x1xf32, #tpu.memory_space<vmem>>, vector<64x1xf32>
    %add3A_466 = vector.broadcast %get3A_465 : vector<64x1xf32> to vector<64x256xf32>
    %add3A_467 = arith.addf %add3A_462, %add3A_466 : vector<64x256xf32>
    %lt3A_468 = arith.cmpf olt, %add3A_467, %select_n3A_456 : vector<64x256xf32>
    %select_n3A_469 = arith.select %lt3A_468, %add3A_467, %select_n3A_456 : vector<64x256xi1>, vector<64x256xf32>
    %jit3A_470 = arith.constant 35 : i32
    %broadcast_in_dim3A_471 = vector.broadcast %jit3A_470 : i32 to vector<64x256xi32>
    %select_n3A_472 = arith.select %lt3A_468, %broadcast_in_dim3A_471, %select_n3A_459 : vector<64x256xi1>, vector<64x256xi32>
    %slice3A_473 = vector.extract_strided_slice %dot_general3A_10 {offsets = [2304, 0], sizes = [64, 256], strides = [1, 1]} : vector<8192x256xf32> to vector<64x256xf32>
    %add3A_474 = vector.broadcast %transpose3A : vector<1x256xf32> to vector<64x256xf32>
    %add3A_475 = arith.addf %add3A_474, %slice3A_473 : vector<64x256xf32>
    %get3A_476 = arith.constant 2304 : index
    %get3A_477 = arith.constant 0 : index
    %get3A_478 = vector.load %arg4[%get3A_476, %get3A_477] : memref<8192x1xf32, #tpu.memory_space<vmem>>, vector<64x1xf32>
    %add3A_479 = vector.broadcast %get3A_478 : vector<64x1xf32> to vector<64x256xf32>
    %add3A_480 = arith.addf %add3A_475, %add3A_479 : vector<64x256xf32>
    %lt3A_481 = arith.cmpf olt, %add3A_480, %select_n3A_469 : vector<64x256xf32>
    %select_n3A_482 = arith.select %lt3A_481, %add3A_480, %select_n3A_469 : vector<64x256xi1>, vector<64x256xf32>
    %jit3A_483 = arith.constant 36 : i32
    %broadcast_in_dim3A_484 = vector.broadcast %jit3A_483 : i32 to vector<64x256xi32>
    %select_n3A_485 = arith.select %lt3A_481, %broadcast_in_dim3A_484, %select_n3A_472 : vector<64x256xi1>, vector<64x256xi32>
    %slice3A_486 = vector.extract_strided_slice %dot_general3A_10 {offsets = [2368, 0], sizes = [64, 256], strides = [1, 1]} : vector<8192x256xf32> to vector<64x256xf32>
    %add3A_487 = vector.broadcast %transpose3A : vector<1x256xf32> to vector<64x256xf32>
    %add3A_488 = arith.addf %add3A_487, %slice3A_486 : vector<64x256xf32>
    %get3A_489 = arith.constant 2368 : index
    %get3A_490 = arith.constant 0 : index
    %get3A_491 = vector.load %arg4[%get3A_489, %get3A_490] : memref<8192x1xf32, #tpu.memory_space<vmem>>, vector<64x1xf32>
    %add3A_492 = vector.broadcast %get3A_491 : vector<64x1xf32> to vector<64x256xf32>
    %add3A_493 = arith.addf %add3A_488, %add3A_492 : vector<64x256xf32>
    %lt3A_494 = arith.cmpf olt, %add3A_493, %select_n3A_482 : vector<64x256xf32>
    %select_n3A_495 = arith.select %lt3A_494, %add3A_493, %select_n3A_482 : vector<64x256xi1>, vector<64x256xf32>
    %jit3A_496 = arith.constant 37 : i32
    %broadcast_in_dim3A_497 = vector.broadcast %jit3A_496 : i32 to vector<64x256xi32>
    %select_n3A_498 = arith.select %lt3A_494, %broadcast_in_dim3A_497, %select_n3A_485 : vector<64x256xi1>, vector<64x256xi32>
    %slice3A_499 = vector.extract_strided_slice %dot_general3A_10 {offsets = [2432, 0], sizes = [64, 256], strides = [1, 1]} : vector<8192x256xf32> to vector<64x256xf32>
    %add3A_500 = vector.broadcast %transpose3A : vector<1x256xf32> to vector<64x256xf32>
    %add3A_501 = arith.addf %add3A_500, %slice3A_499 : vector<64x256xf32>
    %get3A_502 = arith.constant 2432 : index
    %get3A_503 = arith.constant 0 : index
    %get3A_504 = vector.load %arg4[%get3A_502, %get3A_503] : memref<8192x1xf32, #tpu.memory_space<vmem>>, vector<64x1xf32>
    %add3A_505 = vector.broadcast %get3A_504 : vector<64x1xf32> to vector<64x256xf32>
    %add3A_506 = arith.addf %add3A_501, %add3A_505 : vector<64x256xf32>
    %lt3A_507 = arith.cmpf olt, %add3A_506, %select_n3A_495 : vector<64x256xf32>
    %select_n3A_508 = arith.select %lt3A_507, %add3A_506, %select_n3A_495 : vector<64x256xi1>, vector<64x256xf32>
    %jit3A_509 = arith.constant 38 : i32
    %broadcast_in_dim3A_510 = vector.broadcast %jit3A_509 : i32 to vector<64x256xi32>
    %select_n3A_511 = arith.select %lt3A_507, %broadcast_in_dim3A_510, %select_n3A_498 : vector<64x256xi1>, vector<64x256xi32>
    %slice3A_512 = vector.extract_strided_slice %dot_general3A_10 {offsets = [2496, 0], sizes = [64, 256], strides = [1, 1]} : vector<8192x256xf32> to vector<64x256xf32>
    %add3A_513 = vector.broadcast %transpose3A : vector<1x256xf32> to vector<64x256xf32>
    %add3A_514 = arith.addf %add3A_513, %slice3A_512 : vector<64x256xf32>
    %get3A_515 = arith.constant 2496 : index
    %get3A_516 = arith.constant 0 : index
    %get3A_517 = vector.load %arg4[%get3A_515, %get3A_516] : memref<8192x1xf32, #tpu.memory_space<vmem>>, vector<64x1xf32>
    %add3A_518 = vector.broadcast %get3A_517 : vector<64x1xf32> to vector<64x256xf32>
    %add3A_519 = arith.addf %add3A_514, %add3A_518 : vector<64x256xf32>
    %lt3A_520 = arith.cmpf olt, %add3A_519, %select_n3A_508 : vector<64x256xf32>
    %select_n3A_521 = arith.select %lt3A_520, %add3A_519, %select_n3A_508 : vector<64x256xi1>, vector<64x256xf32>
    %jit3A_522 = arith.constant 39 : i32
    %broadcast_in_dim3A_523 = vector.broadcast %jit3A_522 : i32 to vector<64x256xi32>
    %select_n3A_524 = arith.select %lt3A_520, %broadcast_in_dim3A_523, %select_n3A_511 : vector<64x256xi1>, vector<64x256xi32>
    %slice3A_525 = vector.extract_strided_slice %dot_general3A_10 {offsets = [2560, 0], sizes = [64, 256], strides = [1, 1]} : vector<8192x256xf32> to vector<64x256xf32>
    %add3A_526 = vector.broadcast %transpose3A : vector<1x256xf32> to vector<64x256xf32>
    %add3A_527 = arith.addf %add3A_526, %slice3A_525 : vector<64x256xf32>
    %get3A_528 = arith.constant 2560 : index
    %get3A_529 = arith.constant 0 : index
    %get3A_530 = vector.load %arg4[%get3A_528, %get3A_529] : memref<8192x1xf32, #tpu.memory_space<vmem>>, vector<64x1xf32>
    %add3A_531 = vector.broadcast %get3A_530 : vector<64x1xf32> to vector<64x256xf32>
    %add3A_532 = arith.addf %add3A_527, %add3A_531 : vector<64x256xf32>
    %lt3A_533 = arith.cmpf olt, %add3A_532, %select_n3A_521 : vector<64x256xf32>
    %select_n3A_534 = arith.select %lt3A_533, %add3A_532, %select_n3A_521 : vector<64x256xi1>, vector<64x256xf32>
    %jit3A_535 = arith.constant 40 : i32
    %broadcast_in_dim3A_536 = vector.broadcast %jit3A_535 : i32 to vector<64x256xi32>
    %select_n3A_537 = arith.select %lt3A_533, %broadcast_in_dim3A_536, %select_n3A_524 : vector<64x256xi1>, vector<64x256xi32>
    %slice3A_538 = vector.extract_strided_slice %dot_general3A_10 {offsets = [2624, 0], sizes = [64, 256], strides = [1, 1]} : vector<8192x256xf32> to vector<64x256xf32>
    %add3A_539 = vector.broadcast %transpose3A : vector<1x256xf32> to vector<64x256xf32>
    %add3A_540 = arith.addf %add3A_539, %slice3A_538 : vector<64x256xf32>
    %get3A_541 = arith.constant 2624 : index
    %get3A_542 = arith.constant 0 : index
    %get3A_543 = vector.load %arg4[%get3A_541, %get3A_542] : memref<8192x1xf32, #tpu.memory_space<vmem>>, vector<64x1xf32>
    %add3A_544 = vector.broadcast %get3A_543 : vector<64x1xf32> to vector<64x256xf32>
    %add3A_545 = arith.addf %add3A_540, %add3A_544 : vector<64x256xf32>
    %lt3A_546 = arith.cmpf olt, %add3A_545, %select_n3A_534 : vector<64x256xf32>
    %select_n3A_547 = arith.select %lt3A_546, %add3A_545, %select_n3A_534 : vector<64x256xi1>, vector<64x256xf32>
    %jit3A_548 = arith.constant 41 : i32
    %broadcast_in_dim3A_549 = vector.broadcast %jit3A_548 : i32 to vector<64x256xi32>
    %select_n3A_550 = arith.select %lt3A_546, %broadcast_in_dim3A_549, %select_n3A_537 : vector<64x256xi1>, vector<64x256xi32>
    %slice3A_551 = vector.extract_strided_slice %dot_general3A_10 {offsets = [2688, 0], sizes = [64, 256], strides = [1, 1]} : vector<8192x256xf32> to vector<64x256xf32>
    %add3A_552 = vector.broadcast %transpose3A : vector<1x256xf32> to vector<64x256xf32>
    %add3A_553 = arith.addf %add3A_552, %slice3A_551 : vector<64x256xf32>
    %get3A_554 = arith.constant 2688 : index
    %get3A_555 = arith.constant 0 : index
    %get3A_556 = vector.load %arg4[%get3A_554, %get3A_555] : memref<8192x1xf32, #tpu.memory_space<vmem>>, vector<64x1xf32>
    %add3A_557 = vector.broadcast %get3A_556 : vector<64x1xf32> to vector<64x256xf32>
    %add3A_558 = arith.addf %add3A_553, %add3A_557 : vector<64x256xf32>
    %lt3A_559 = arith.cmpf olt, %add3A_558, %select_n3A_547 : vector<64x256xf32>
    %select_n3A_560 = arith.select %lt3A_559, %add3A_558, %select_n3A_547 : vector<64x256xi1>, vector<64x256xf32>
    %jit3A_561 = arith.constant 42 : i32
    %broadcast_in_dim3A_562 = vector.broadcast %jit3A_561 : i32 to vector<64x256xi32>
    %select_n3A_563 = arith.select %lt3A_559, %broadcast_in_dim3A_562, %select_n3A_550 : vector<64x256xi1>, vector<64x256xi32>
    %slice3A_564 = vector.extract_strided_slice %dot_general3A_10 {offsets = [2752, 0], sizes = [64, 256], strides = [1, 1]} : vector<8192x256xf32> to vector<64x256xf32>
    %add3A_565 = vector.broadcast %transpose3A : vector<1x256xf32> to vector<64x256xf32>
    %add3A_566 = arith.addf %add3A_565, %slice3A_564 : vector<64x256xf32>
    %get3A_567 = arith.constant 2752 : index
    %get3A_568 = arith.constant 0 : index
    %get3A_569 = vector.load %arg4[%get3A_567, %get3A_568] : memref<8192x1xf32, #tpu.memory_space<vmem>>, vector<64x1xf32>
    %add3A_570 = vector.broadcast %get3A_569 : vector<64x1xf32> to vector<64x256xf32>
    %add3A_571 = arith.addf %add3A_566, %add3A_570 : vector<64x256xf32>
    %lt3A_572 = arith.cmpf olt, %add3A_571, %select_n3A_560 : vector<64x256xf32>
    %select_n3A_573 = arith.select %lt3A_572, %add3A_571, %select_n3A_560 : vector<64x256xi1>, vector<64x256xf32>
    %jit3A_574 = arith.constant 43 : i32
    %broadcast_in_dim3A_575 = vector.broadcast %jit3A_574 : i32 to vector<64x256xi32>
    %select_n3A_576 = arith.select %lt3A_572, %broadcast_in_dim3A_575, %select_n3A_563 : vector<64x256xi1>, vector<64x256xi32>
    %slice3A_577 = vector.extract_strided_slice %dot_general3A_10 {offsets = [2816, 0], sizes = [64, 256], strides = [1, 1]} : vector<8192x256xf32> to vector<64x256xf32>
    %add3A_578 = vector.broadcast %transpose3A : vector<1x256xf32> to vector<64x256xf32>
    %add3A_579 = arith.addf %add3A_578, %slice3A_577 : vector<64x256xf32>
    %get3A_580 = arith.constant 2816 : index
    %get3A_581 = arith.constant 0 : index
    %get3A_582 = vector.load %arg4[%get3A_580, %get3A_581] : memref<8192x1xf32, #tpu.memory_space<vmem>>, vector<64x1xf32>
    %add3A_583 = vector.broadcast %get3A_582 : vector<64x1xf32> to vector<64x256xf32>
    %add3A_584 = arith.addf %add3A_579, %add3A_583 : vector<64x256xf32>
    %lt3A_585 = arith.cmpf olt, %add3A_584, %select_n3A_573 : vector<64x256xf32>
    %select_n3A_586 = arith.select %lt3A_585, %add3A_584, %select_n3A_573 : vector<64x256xi1>, vector<64x256xf32>
    %jit3A_587 = arith.constant 44 : i32
    %broadcast_in_dim3A_588 = vector.broadcast %jit3A_587 : i32 to vector<64x256xi32>
    %select_n3A_589 = arith.select %lt3A_585, %broadcast_in_dim3A_588, %select_n3A_576 : vector<64x256xi1>, vector<64x256xi32>
    %slice3A_590 = vector.extract_strided_slice %dot_general3A_10 {offsets = [2880, 0], sizes = [64, 256], strides = [1, 1]} : vector<8192x256xf32> to vector<64x256xf32>
    %add3A_591 = vector.broadcast %transpose3A : vector<1x256xf32> to vector<64x256xf32>
    %add3A_592 = arith.addf %add3A_591, %slice3A_590 : vector<64x256xf32>
    %get3A_593 = arith.constant 2880 : index
    %get3A_594 = arith.constant 0 : index
    %get3A_595 = vector.load %arg4[%get3A_593, %get3A_594] : memref<8192x1xf32, #tpu.memory_space<vmem>>, vector<64x1xf32>
    %add3A_596 = vector.broadcast %get3A_595 : vector<64x1xf32> to vector<64x256xf32>
    %add3A_597 = arith.addf %add3A_592, %add3A_596 : vector<64x256xf32>
    %lt3A_598 = arith.cmpf olt, %add3A_597, %select_n3A_586 : vector<64x256xf32>
    %select_n3A_599 = arith.select %lt3A_598, %add3A_597, %select_n3A_586 : vector<64x256xi1>, vector<64x256xf32>
    %jit3A_600 = arith.constant 45 : i32
    %broadcast_in_dim3A_601 = vector.broadcast %jit3A_600 : i32 to vector<64x256xi32>
    %select_n3A_602 = arith.select %lt3A_598, %broadcast_in_dim3A_601, %select_n3A_589 : vector<64x256xi1>, vector<64x256xi32>
    %slice3A_603 = vector.extract_strided_slice %dot_general3A_10 {offsets = [2944, 0], sizes = [64, 256], strides = [1, 1]} : vector<8192x256xf32> to vector<64x256xf32>
    %add3A_604 = vector.broadcast %transpose3A : vector<1x256xf32> to vector<64x256xf32>
    %add3A_605 = arith.addf %add3A_604, %slice3A_603 : vector<64x256xf32>
    %get3A_606 = arith.constant 2944 : index
    %get3A_607 = arith.constant 0 : index
    %get3A_608 = vector.load %arg4[%get3A_606, %get3A_607] : memref<8192x1xf32, #tpu.memory_space<vmem>>, vector<64x1xf32>
    %add3A_609 = vector.broadcast %get3A_608 : vector<64x1xf32> to vector<64x256xf32>
    %add3A_610 = arith.addf %add3A_605, %add3A_609 : vector<64x256xf32>
    %lt3A_611 = arith.cmpf olt, %add3A_610, %select_n3A_599 : vector<64x256xf32>
    %select_n3A_612 = arith.select %lt3A_611, %add3A_610, %select_n3A_599 : vector<64x256xi1>, vector<64x256xf32>
    %jit3A_613 = arith.constant 46 : i32
    %broadcast_in_dim3A_614 = vector.broadcast %jit3A_613 : i32 to vector<64x256xi32>
    %select_n3A_615 = arith.select %lt3A_611, %broadcast_in_dim3A_614, %select_n3A_602 : vector<64x256xi1>, vector<64x256xi32>
    %slice3A_616 = vector.extract_strided_slice %dot_general3A_10 {offsets = [3008, 0], sizes = [64, 256], strides = [1, 1]} : vector<8192x256xf32> to vector<64x256xf32>
    %add3A_617 = vector.broadcast %transpose3A : vector<1x256xf32> to vector<64x256xf32>
    %add3A_618 = arith.addf %add3A_617, %slice3A_616 : vector<64x256xf32>
    %get3A_619 = arith.constant 3008 : index
    %get3A_620 = arith.constant 0 : index
    %get3A_621 = vector.load %arg4[%get3A_619, %get3A_620] : memref<8192x1xf32, #tpu.memory_space<vmem>>, vector<64x1xf32>
    %add3A_622 = vector.broadcast %get3A_621 : vector<64x1xf32> to vector<64x256xf32>
    %add3A_623 = arith.addf %add3A_618, %add3A_622 : vector<64x256xf32>
    %lt3A_624 = arith.cmpf olt, %add3A_623, %select_n3A_612 : vector<64x256xf32>
    %select_n3A_625 = arith.select %lt3A_624, %add3A_623, %select_n3A_612 : vector<64x256xi1>, vector<64x256xf32>
    %jit3A_626 = arith.constant 47 : i32
    %broadcast_in_dim3A_627 = vector.broadcast %jit3A_626 : i32 to vector<64x256xi32>
    %select_n3A_628 = arith.select %lt3A_624, %broadcast_in_dim3A_627, %select_n3A_615 : vector<64x256xi1>, vector<64x256xi32>
    %slice3A_629 = vector.extract_strided_slice %dot_general3A_10 {offsets = [3072, 0], sizes = [64, 256], strides = [1, 1]} : vector<8192x256xf32> to vector<64x256xf32>
    %add3A_630 = vector.broadcast %transpose3A : vector<1x256xf32> to vector<64x256xf32>
    %add3A_631 = arith.addf %add3A_630, %slice3A_629 : vector<64x256xf32>
    %get3A_632 = arith.constant 3072 : index
    %get3A_633 = arith.constant 0 : index
    %get3A_634 = vector.load %arg4[%get3A_632, %get3A_633] : memref<8192x1xf32, #tpu.memory_space<vmem>>, vector<64x1xf32>
    %add3A_635 = vector.broadcast %get3A_634 : vector<64x1xf32> to vector<64x256xf32>
    %add3A_636 = arith.addf %add3A_631, %add3A_635 : vector<64x256xf32>
    %lt3A_637 = arith.cmpf olt, %add3A_636, %select_n3A_625 : vector<64x256xf32>
    %select_n3A_638 = arith.select %lt3A_637, %add3A_636, %select_n3A_625 : vector<64x256xi1>, vector<64x256xf32>
    %jit3A_639 = arith.constant 48 : i32
    %broadcast_in_dim3A_640 = vector.broadcast %jit3A_639 : i32 to vector<64x256xi32>
    %select_n3A_641 = arith.select %lt3A_637, %broadcast_in_dim3A_640, %select_n3A_628 : vector<64x256xi1>, vector<64x256xi32>
    %slice3A_642 = vector.extract_strided_slice %dot_general3A_10 {offsets = [3136, 0], sizes = [64, 256], strides = [1, 1]} : vector<8192x256xf32> to vector<64x256xf32>
    %add3A_643 = vector.broadcast %transpose3A : vector<1x256xf32> to vector<64x256xf32>
    %add3A_644 = arith.addf %add3A_643, %slice3A_642 : vector<64x256xf32>
    %get3A_645 = arith.constant 3136 : index
    %get3A_646 = arith.constant 0 : index
    %get3A_647 = vector.load %arg4[%get3A_645, %get3A_646] : memref<8192x1xf32, #tpu.memory_space<vmem>>, vector<64x1xf32>
    %add3A_648 = vector.broadcast %get3A_647 : vector<64x1xf32> to vector<64x256xf32>
    %add3A_649 = arith.addf %add3A_644, %add3A_648 : vector<64x256xf32>
    %lt3A_650 = arith.cmpf olt, %add3A_649, %select_n3A_638 : vector<64x256xf32>
    %select_n3A_651 = arith.select %lt3A_650, %add3A_649, %select_n3A_638 : vector<64x256xi1>, vector<64x256xf32>
    %jit3A_652 = arith.constant 49 : i32
    %broadcast_in_dim3A_653 = vector.broadcast %jit3A_652 : i32 to vector<64x256xi32>
    %select_n3A_654 = arith.select %lt3A_650, %broadcast_in_dim3A_653, %select_n3A_641 : vector<64x256xi1>, vector<64x256xi32>
    %slice3A_655 = vector.extract_strided_slice %dot_general3A_10 {offsets = [3200, 0], sizes = [64, 256], strides = [1, 1]} : vector<8192x256xf32> to vector<64x256xf32>
    %add3A_656 = vector.broadcast %transpose3A : vector<1x256xf32> to vector<64x256xf32>
    %add3A_657 = arith.addf %add3A_656, %slice3A_655 : vector<64x256xf32>
    %get3A_658 = arith.constant 3200 : index
    %get3A_659 = arith.constant 0 : index
    %get3A_660 = vector.load %arg4[%get3A_658, %get3A_659] : memref<8192x1xf32, #tpu.memory_space<vmem>>, vector<64x1xf32>
    %add3A_661 = vector.broadcast %get3A_660 : vector<64x1xf32> to vector<64x256xf32>
    %add3A_662 = arith.addf %add3A_657, %add3A_661 : vector<64x256xf32>
    %lt3A_663 = arith.cmpf olt, %add3A_662, %select_n3A_651 : vector<64x256xf32>
    %select_n3A_664 = arith.select %lt3A_663, %add3A_662, %select_n3A_651 : vector<64x256xi1>, vector<64x256xf32>
    %jit3A_665 = arith.constant 50 : i32
    %broadcast_in_dim3A_666 = vector.broadcast %jit3A_665 : i32 to vector<64x256xi32>
    %select_n3A_667 = arith.select %lt3A_663, %broadcast_in_dim3A_666, %select_n3A_654 : vector<64x256xi1>, vector<64x256xi32>
    %slice3A_668 = vector.extract_strided_slice %dot_general3A_10 {offsets = [3264, 0], sizes = [64, 256], strides = [1, 1]} : vector<8192x256xf32> to vector<64x256xf32>
    %add3A_669 = vector.broadcast %transpose3A : vector<1x256xf32> to vector<64x256xf32>
    %add3A_670 = arith.addf %add3A_669, %slice3A_668 : vector<64x256xf32>
    %get3A_671 = arith.constant 3264 : index
    %get3A_672 = arith.constant 0 : index
    %get3A_673 = vector.load %arg4[%get3A_671, %get3A_672] : memref<8192x1xf32, #tpu.memory_space<vmem>>, vector<64x1xf32>
    %add3A_674 = vector.broadcast %get3A_673 : vector<64x1xf32> to vector<64x256xf32>
    %add3A_675 = arith.addf %add3A_670, %add3A_674 : vector<64x256xf32>
    %lt3A_676 = arith.cmpf olt, %add3A_675, %select_n3A_664 : vector<64x256xf32>
    %select_n3A_677 = arith.select %lt3A_676, %add3A_675, %select_n3A_664 : vector<64x256xi1>, vector<64x256xf32>
    %jit3A_678 = arith.constant 51 : i32
    %broadcast_in_dim3A_679 = vector.broadcast %jit3A_678 : i32 to vector<64x256xi32>
    %select_n3A_680 = arith.select %lt3A_676, %broadcast_in_dim3A_679, %select_n3A_667 : vector<64x256xi1>, vector<64x256xi32>
    %slice3A_681 = vector.extract_strided_slice %dot_general3A_10 {offsets = [3328, 0], sizes = [64, 256], strides = [1, 1]} : vector<8192x256xf32> to vector<64x256xf32>
    %add3A_682 = vector.broadcast %transpose3A : vector<1x256xf32> to vector<64x256xf32>
    %add3A_683 = arith.addf %add3A_682, %slice3A_681 : vector<64x256xf32>
    %get3A_684 = arith.constant 3328 : index
    %get3A_685 = arith.constant 0 : index
    %get3A_686 = vector.load %arg4[%get3A_684, %get3A_685] : memref<8192x1xf32, #tpu.memory_space<vmem>>, vector<64x1xf32>
    %add3A_687 = vector.broadcast %get3A_686 : vector<64x1xf32> to vector<64x256xf32>
    %add3A_688 = arith.addf %add3A_683, %add3A_687 : vector<64x256xf32>
    %lt3A_689 = arith.cmpf olt, %add3A_688, %select_n3A_677 : vector<64x256xf32>
    %select_n3A_690 = arith.select %lt3A_689, %add3A_688, %select_n3A_677 : vector<64x256xi1>, vector<64x256xf32>
    %jit3A_691 = arith.constant 52 : i32
    %broadcast_in_dim3A_692 = vector.broadcast %jit3A_691 : i32 to vector<64x256xi32>
    %select_n3A_693 = arith.select %lt3A_689, %broadcast_in_dim3A_692, %select_n3A_680 : vector<64x256xi1>, vector<64x256xi32>
    %slice3A_694 = vector.extract_strided_slice %dot_general3A_10 {offsets = [3392, 0], sizes = [64, 256], strides = [1, 1]} : vector<8192x256xf32> to vector<64x256xf32>
    %add3A_695 = vector.broadcast %transpose3A : vector<1x256xf32> to vector<64x256xf32>
    %add3A_696 = arith.addf %add3A_695, %slice3A_694 : vector<64x256xf32>
    %get3A_697 = arith.constant 3392 : index
    %get3A_698 = arith.constant 0 : index
    %get3A_699 = vector.load %arg4[%get3A_697, %get3A_698] : memref<8192x1xf32, #tpu.memory_space<vmem>>, vector<64x1xf32>
    %add3A_700 = vector.broadcast %get3A_699 : vector<64x1xf32> to vector<64x256xf32>
    %add3A_701 = arith.addf %add3A_696, %add3A_700 : vector<64x256xf32>
    %lt3A_702 = arith.cmpf olt, %add3A_701, %select_n3A_690 : vector<64x256xf32>
    %select_n3A_703 = arith.select %lt3A_702, %add3A_701, %select_n3A_690 : vector<64x256xi1>, vector<64x256xf32>
    %jit3A_704 = arith.constant 53 : i32
    %broadcast_in_dim3A_705 = vector.broadcast %jit3A_704 : i32 to vector<64x256xi32>
    %select_n3A_706 = arith.select %lt3A_702, %broadcast_in_dim3A_705, %select_n3A_693 : vector<64x256xi1>, vector<64x256xi32>
    %slice3A_707 = vector.extract_strided_slice %dot_general3A_10 {offsets = [3456, 0], sizes = [64, 256], strides = [1, 1]} : vector<8192x256xf32> to vector<64x256xf32>
    %add3A_708 = vector.broadcast %transpose3A : vector<1x256xf32> to vector<64x256xf32>
    %add3A_709 = arith.addf %add3A_708, %slice3A_707 : vector<64x256xf32>
    %get3A_710 = arith.constant 3456 : index
    %get3A_711 = arith.constant 0 : index
    %get3A_712 = vector.load %arg4[%get3A_710, %get3A_711] : memref<8192x1xf32, #tpu.memory_space<vmem>>, vector<64x1xf32>
    %add3A_713 = vector.broadcast %get3A_712 : vector<64x1xf32> to vector<64x256xf32>
    %add3A_714 = arith.addf %add3A_709, %add3A_713 : vector<64x256xf32>
    %lt3A_715 = arith.cmpf olt, %add3A_714, %select_n3A_703 : vector<64x256xf32>
    %select_n3A_716 = arith.select %lt3A_715, %add3A_714, %select_n3A_703 : vector<64x256xi1>, vector<64x256xf32>
    %jit3A_717 = arith.constant 54 : i32
    %broadcast_in_dim3A_718 = vector.broadcast %jit3A_717 : i32 to vector<64x256xi32>
    %select_n3A_719 = arith.select %lt3A_715, %broadcast_in_dim3A_718, %select_n3A_706 : vector<64x256xi1>, vector<64x256xi32>
    %slice3A_720 = vector.extract_strided_slice %dot_general3A_10 {offsets = [3520, 0], sizes = [64, 256], strides = [1, 1]} : vector<8192x256xf32> to vector<64x256xf32>
    %add3A_721 = vector.broadcast %transpose3A : vector<1x256xf32> to vector<64x256xf32>
    %add3A_722 = arith.addf %add3A_721, %slice3A_720 : vector<64x256xf32>
    %get3A_723 = arith.constant 3520 : index
    %get3A_724 = arith.constant 0 : index
    %get3A_725 = vector.load %arg4[%get3A_723, %get3A_724] : memref<8192x1xf32, #tpu.memory_space<vmem>>, vector<64x1xf32>
    %add3A_726 = vector.broadcast %get3A_725 : vector<64x1xf32> to vector<64x256xf32>
    %add3A_727 = arith.addf %add3A_722, %add3A_726 : vector<64x256xf32>
    %lt3A_728 = arith.cmpf olt, %add3A_727, %select_n3A_716 : vector<64x256xf32>
    %select_n3A_729 = arith.select %lt3A_728, %add3A_727, %select_n3A_716 : vector<64x256xi1>, vector<64x256xf32>
    %jit3A_730 = arith.constant 55 : i32
    %broadcast_in_dim3A_731 = vector.broadcast %jit3A_730 : i32 to vector<64x256xi32>
    %select_n3A_732 = arith.select %lt3A_728, %broadcast_in_dim3A_731, %select_n3A_719 : vector<64x256xi1>, vector<64x256xi32>
    %slice3A_733 = vector.extract_strided_slice %dot_general3A_10 {offsets = [3584, 0], sizes = [64, 256], strides = [1, 1]} : vector<8192x256xf32> to vector<64x256xf32>
    %add3A_734 = vector.broadcast %transpose3A : vector<1x256xf32> to vector<64x256xf32>
    %add3A_735 = arith.addf %add3A_734, %slice3A_733 : vector<64x256xf32>
    %get3A_736 = arith.constant 3584 : index
    %get3A_737 = arith.constant 0 : index
    %get3A_738 = vector.load %arg4[%get3A_736, %get3A_737] : memref<8192x1xf32, #tpu.memory_space<vmem>>, vector<64x1xf32>
    %add3A_739 = vector.broadcast %get3A_738 : vector<64x1xf32> to vector<64x256xf32>
    %add3A_740 = arith.addf %add3A_735, %add3A_739 : vector<64x256xf32>
    %lt3A_741 = arith.cmpf olt, %add3A_740, %select_n3A_729 : vector<64x256xf32>
    %select_n3A_742 = arith.select %lt3A_741, %add3A_740, %select_n3A_729 : vector<64x256xi1>, vector<64x256xf32>
    %jit3A_743 = arith.constant 56 : i32
    %broadcast_in_dim3A_744 = vector.broadcast %jit3A_743 : i32 to vector<64x256xi32>
    %select_n3A_745 = arith.select %lt3A_741, %broadcast_in_dim3A_744, %select_n3A_732 : vector<64x256xi1>, vector<64x256xi32>
    %slice3A_746 = vector.extract_strided_slice %dot_general3A_10 {offsets = [3648, 0], sizes = [64, 256], strides = [1, 1]} : vector<8192x256xf32> to vector<64x256xf32>
    %add3A_747 = vector.broadcast %transpose3A : vector<1x256xf32> to vector<64x256xf32>
    %add3A_748 = arith.addf %add3A_747, %slice3A_746 : vector<64x256xf32>
    %get3A_749 = arith.constant 3648 : index
    %get3A_750 = arith.constant 0 : index
    %get3A_751 = vector.load %arg4[%get3A_749, %get3A_750] : memref<8192x1xf32, #tpu.memory_space<vmem>>, vector<64x1xf32>
    %add3A_752 = vector.broadcast %get3A_751 : vector<64x1xf32> to vector<64x256xf32>
    %add3A_753 = arith.addf %add3A_748, %add3A_752 : vector<64x256xf32>
    %lt3A_754 = arith.cmpf olt, %add3A_753, %select_n3A_742 : vector<64x256xf32>
    %select_n3A_755 = arith.select %lt3A_754, %add3A_753, %select_n3A_742 : vector<64x256xi1>, vector<64x256xf32>
    %jit3A_756 = arith.constant 57 : i32
    %broadcast_in_dim3A_757 = vector.broadcast %jit3A_756 : i32 to vector<64x256xi32>
    %select_n3A_758 = arith.select %lt3A_754, %broadcast_in_dim3A_757, %select_n3A_745 : vector<64x256xi1>, vector<64x256xi32>
    %slice3A_759 = vector.extract_strided_slice %dot_general3A_10 {offsets = [3712, 0], sizes = [64, 256], strides = [1, 1]} : vector<8192x256xf32> to vector<64x256xf32>
    %add3A_760 = vector.broadcast %transpose3A : vector<1x256xf32> to vector<64x256xf32>
    %add3A_761 = arith.addf %add3A_760, %slice3A_759 : vector<64x256xf32>
    %get3A_762 = arith.constant 3712 : index
    %get3A_763 = arith.constant 0 : index
    %get3A_764 = vector.load %arg4[%get3A_762, %get3A_763] : memref<8192x1xf32, #tpu.memory_space<vmem>>, vector<64x1xf32>
    %add3A_765 = vector.broadcast %get3A_764 : vector<64x1xf32> to vector<64x256xf32>
    %add3A_766 = arith.addf %add3A_761, %add3A_765 : vector<64x256xf32>
    %lt3A_767 = arith.cmpf olt, %add3A_766, %select_n3A_755 : vector<64x256xf32>
    %select_n3A_768 = arith.select %lt3A_767, %add3A_766, %select_n3A_755 : vector<64x256xi1>, vector<64x256xf32>
    %jit3A_769 = arith.constant 58 : i32
    %broadcast_in_dim3A_770 = vector.broadcast %jit3A_769 : i32 to vector<64x256xi32>
    %select_n3A_771 = arith.select %lt3A_767, %broadcast_in_dim3A_770, %select_n3A_758 : vector<64x256xi1>, vector<64x256xi32>
    %slice3A_772 = vector.extract_strided_slice %dot_general3A_10 {offsets = [3776, 0], sizes = [64, 256], strides = [1, 1]} : vector<8192x256xf32> to vector<64x256xf32>
    %add3A_773 = vector.broadcast %transpose3A : vector<1x256xf32> to vector<64x256xf32>
    %add3A_774 = arith.addf %add3A_773, %slice3A_772 : vector<64x256xf32>
    %get3A_775 = arith.constant 3776 : index
    %get3A_776 = arith.constant 0 : index
    %get3A_777 = vector.load %arg4[%get3A_775, %get3A_776] : memref<8192x1xf32, #tpu.memory_space<vmem>>, vector<64x1xf32>
    %add3A_778 = vector.broadcast %get3A_777 : vector<64x1xf32> to vector<64x256xf32>
    %add3A_779 = arith.addf %add3A_774, %add3A_778 : vector<64x256xf32>
    %lt3A_780 = arith.cmpf olt, %add3A_779, %select_n3A_768 : vector<64x256xf32>
    %select_n3A_781 = arith.select %lt3A_780, %add3A_779, %select_n3A_768 : vector<64x256xi1>, vector<64x256xf32>
    %jit3A_782 = arith.constant 59 : i32
    %broadcast_in_dim3A_783 = vector.broadcast %jit3A_782 : i32 to vector<64x256xi32>
    %select_n3A_784 = arith.select %lt3A_780, %broadcast_in_dim3A_783, %select_n3A_771 : vector<64x256xi1>, vector<64x256xi32>
    %slice3A_785 = vector.extract_strided_slice %dot_general3A_10 {offsets = [3840, 0], sizes = [64, 256], strides = [1, 1]} : vector<8192x256xf32> to vector<64x256xf32>
    %add3A_786 = vector.broadcast %transpose3A : vector<1x256xf32> to vector<64x256xf32>
    %add3A_787 = arith.addf %add3A_786, %slice3A_785 : vector<64x256xf32>
    %get3A_788 = arith.constant 3840 : index
    %get3A_789 = arith.constant 0 : index
    %get3A_790 = vector.load %arg4[%get3A_788, %get3A_789] : memref<8192x1xf32, #tpu.memory_space<vmem>>, vector<64x1xf32>
    %add3A_791 = vector.broadcast %get3A_790 : vector<64x1xf32> to vector<64x256xf32>
    %add3A_792 = arith.addf %add3A_787, %add3A_791 : vector<64x256xf32>
    %lt3A_793 = arith.cmpf olt, %add3A_792, %select_n3A_781 : vector<64x256xf32>
    %select_n3A_794 = arith.select %lt3A_793, %add3A_792, %select_n3A_781 : vector<64x256xi1>, vector<64x256xf32>
    %jit3A_795 = arith.constant 60 : i32
    %broadcast_in_dim3A_796 = vector.broadcast %jit3A_795 : i32 to vector<64x256xi32>
    %select_n3A_797 = arith.select %lt3A_793, %broadcast_in_dim3A_796, %select_n3A_784 : vector<64x256xi1>, vector<64x256xi32>
    %slice3A_798 = vector.extract_strided_slice %dot_general3A_10 {offsets = [3904, 0], sizes = [64, 256], strides = [1, 1]} : vector<8192x256xf32> to vector<64x256xf32>
    %add3A_799 = vector.broadcast %transpose3A : vector<1x256xf32> to vector<64x256xf32>
    %add3A_800 = arith.addf %add3A_799, %slice3A_798 : vector<64x256xf32>
    %get3A_801 = arith.constant 3904 : index
    %get3A_802 = arith.constant 0 : index
    %get3A_803 = vector.load %arg4[%get3A_801, %get3A_802] : memref<8192x1xf32, #tpu.memory_space<vmem>>, vector<64x1xf32>
    %add3A_804 = vector.broadcast %get3A_803 : vector<64x1xf32> to vector<64x256xf32>
    %add3A_805 = arith.addf %add3A_800, %add3A_804 : vector<64x256xf32>
    %lt3A_806 = arith.cmpf olt, %add3A_805, %select_n3A_794 : vector<64x256xf32>
    %select_n3A_807 = arith.select %lt3A_806, %add3A_805, %select_n3A_794 : vector<64x256xi1>, vector<64x256xf32>
    %jit3A_808 = arith.constant 61 : i32
    %broadcast_in_dim3A_809 = vector.broadcast %jit3A_808 : i32 to vector<64x256xi32>
    %select_n3A_810 = arith.select %lt3A_806, %broadcast_in_dim3A_809, %select_n3A_797 : vector<64x256xi1>, vector<64x256xi32>
    %slice3A_811 = vector.extract_strided_slice %dot_general3A_10 {offsets = [3968, 0], sizes = [64, 256], strides = [1, 1]} : vector<8192x256xf32> to vector<64x256xf32>
    %add3A_812 = vector.broadcast %transpose3A : vector<1x256xf32> to vector<64x256xf32>
    %add3A_813 = arith.addf %add3A_812, %slice3A_811 : vector<64x256xf32>
    %get3A_814 = arith.constant 3968 : index
    %get3A_815 = arith.constant 0 : index
    %get3A_816 = vector.load %arg4[%get3A_814, %get3A_815] : memref<8192x1xf32, #tpu.memory_space<vmem>>, vector<64x1xf32>
    %add3A_817 = vector.broadcast %get3A_816 : vector<64x1xf32> to vector<64x256xf32>
    %add3A_818 = arith.addf %add3A_813, %add3A_817 : vector<64x256xf32>
    %lt3A_819 = arith.cmpf olt, %add3A_818, %select_n3A_807 : vector<64x256xf32>
    %select_n3A_820 = arith.select %lt3A_819, %add3A_818, %select_n3A_807 : vector<64x256xi1>, vector<64x256xf32>
    %jit3A_821 = arith.constant 62 : i32
    %broadcast_in_dim3A_822 = vector.broadcast %jit3A_821 : i32 to vector<64x256xi32>
    %select_n3A_823 = arith.select %lt3A_819, %broadcast_in_dim3A_822, %select_n3A_810 : vector<64x256xi1>, vector<64x256xi32>
    %slice3A_824 = vector.extract_strided_slice %dot_general3A_10 {offsets = [4032, 0], sizes = [64, 256], strides = [1, 1]} : vector<8192x256xf32> to vector<64x256xf32>
    %add3A_825 = vector.broadcast %transpose3A : vector<1x256xf32> to vector<64x256xf32>
    %add3A_826 = arith.addf %add3A_825, %slice3A_824 : vector<64x256xf32>
    %get3A_827 = arith.constant 4032 : index
    %get3A_828 = arith.constant 0 : index
    %get3A_829 = vector.load %arg4[%get3A_827, %get3A_828] : memref<8192x1xf32, #tpu.memory_space<vmem>>, vector<64x1xf32>
    %add3A_830 = vector.broadcast %get3A_829 : vector<64x1xf32> to vector<64x256xf32>
    %add3A_831 = arith.addf %add3A_826, %add3A_830 : vector<64x256xf32>
    %lt3A_832 = arith.cmpf olt, %add3A_831, %select_n3A_820 : vector<64x256xf32>
    %select_n3A_833 = arith.select %lt3A_832, %add3A_831, %select_n3A_820 : vector<64x256xi1>, vector<64x256xf32>
    %jit3A_834 = arith.constant 63 : i32
    %broadcast_in_dim3A_835 = vector.broadcast %jit3A_834 : i32 to vector<64x256xi32>
    %select_n3A_836 = arith.select %lt3A_832, %broadcast_in_dim3A_835, %select_n3A_823 : vector<64x256xi1>, vector<64x256xi32>
    %slice3A_837 = vector.extract_strided_slice %dot_general3A_10 {offsets = [4096, 0], sizes = [64, 256], strides = [1, 1]} : vector<8192x256xf32> to vector<64x256xf32>
    %add3A_838 = vector.broadcast %transpose3A : vector<1x256xf32> to vector<64x256xf32>
    %add3A_839 = arith.addf %add3A_838, %slice3A_837 : vector<64x256xf32>
    %get3A_840 = arith.constant 4096 : index
    %get3A_841 = arith.constant 0 : index
    %get3A_842 = vector.load %arg4[%get3A_840, %get3A_841] : memref<8192x1xf32, #tpu.memory_space<vmem>>, vector<64x1xf32>
    %add3A_843 = vector.broadcast %get3A_842 : vector<64x1xf32> to vector<64x256xf32>
    %add3A_844 = arith.addf %add3A_839, %add3A_843 : vector<64x256xf32>
    %lt3A_845 = arith.cmpf olt, %add3A_844, %select_n3A_833 : vector<64x256xf32>
    %select_n3A_846 = arith.select %lt3A_845, %add3A_844, %select_n3A_833 : vector<64x256xi1>, vector<64x256xf32>
    %jit3A_847 = arith.constant 64 : i32
    %broadcast_in_dim3A_848 = vector.broadcast %jit3A_847 : i32 to vector<64x256xi32>
    %select_n3A_849 = arith.select %lt3A_845, %broadcast_in_dim3A_848, %select_n3A_836 : vector<64x256xi1>, vector<64x256xi32>
    %slice3A_850 = vector.extract_strided_slice %dot_general3A_10 {offsets = [4160, 0], sizes = [64, 256], strides = [1, 1]} : vector<8192x256xf32> to vector<64x256xf32>
    %add3A_851 = vector.broadcast %transpose3A : vector<1x256xf32> to vector<64x256xf32>
    %add3A_852 = arith.addf %add3A_851, %slice3A_850 : vector<64x256xf32>
    %get3A_853 = arith.constant 4160 : index
    %get3A_854 = arith.constant 0 : index
    %get3A_855 = vector.load %arg4[%get3A_853, %get3A_854] : memref<8192x1xf32, #tpu.memory_space<vmem>>, vector<64x1xf32>
    %add3A_856 = vector.broadcast %get3A_855 : vector<64x1xf32> to vector<64x256xf32>
    %add3A_857 = arith.addf %add3A_852, %add3A_856 : vector<64x256xf32>
    %lt3A_858 = arith.cmpf olt, %add3A_857, %select_n3A_846 : vector<64x256xf32>
    %select_n3A_859 = arith.select %lt3A_858, %add3A_857, %select_n3A_846 : vector<64x256xi1>, vector<64x256xf32>
    %jit3A_860 = arith.constant 65 : i32
    %broadcast_in_dim3A_861 = vector.broadcast %jit3A_860 : i32 to vector<64x256xi32>
    %select_n3A_862 = arith.select %lt3A_858, %broadcast_in_dim3A_861, %select_n3A_849 : vector<64x256xi1>, vector<64x256xi32>
    %slice3A_863 = vector.extract_strided_slice %dot_general3A_10 {offsets = [4224, 0], sizes = [64, 256], strides = [1, 1]} : vector<8192x256xf32> to vector<64x256xf32>
    %add3A_864 = vector.broadcast %transpose3A : vector<1x256xf32> to vector<64x256xf32>
    %add3A_865 = arith.addf %add3A_864, %slice3A_863 : vector<64x256xf32>
    %get3A_866 = arith.constant 4224 : index
    %get3A_867 = arith.constant 0 : index
    %get3A_868 = vector.load %arg4[%get3A_866, %get3A_867] : memref<8192x1xf32, #tpu.memory_space<vmem>>, vector<64x1xf32>
    %add3A_869 = vector.broadcast %get3A_868 : vector<64x1xf32> to vector<64x256xf32>
    %add3A_870 = arith.addf %add3A_865, %add3A_869 : vector<64x256xf32>
    %lt3A_871 = arith.cmpf olt, %add3A_870, %select_n3A_859 : vector<64x256xf32>
    %select_n3A_872 = arith.select %lt3A_871, %add3A_870, %select_n3A_859 : vector<64x256xi1>, vector<64x256xf32>
    %jit3A_873 = arith.constant 66 : i32
    %broadcast_in_dim3A_874 = vector.broadcast %jit3A_873 : i32 to vector<64x256xi32>
    %select_n3A_875 = arith.select %lt3A_871, %broadcast_in_dim3A_874, %select_n3A_862 : vector<64x256xi1>, vector<64x256xi32>
    %slice3A_876 = vector.extract_strided_slice %dot_general3A_10 {offsets = [4288, 0], sizes = [64, 256], strides = [1, 1]} : vector<8192x256xf32> to vector<64x256xf32>
    %add3A_877 = vector.broadcast %transpose3A : vector<1x256xf32> to vector<64x256xf32>
    %add3A_878 = arith.addf %add3A_877, %slice3A_876 : vector<64x256xf32>
    %get3A_879 = arith.constant 4288 : index
    %get3A_880 = arith.constant 0 : index
    %get3A_881 = vector.load %arg4[%get3A_879, %get3A_880] : memref<8192x1xf32, #tpu.memory_space<vmem>>, vector<64x1xf32>
    %add3A_882 = vector.broadcast %get3A_881 : vector<64x1xf32> to vector<64x256xf32>
    %add3A_883 = arith.addf %add3A_878, %add3A_882 : vector<64x256xf32>
    %lt3A_884 = arith.cmpf olt, %add3A_883, %select_n3A_872 : vector<64x256xf32>
    %select_n3A_885 = arith.select %lt3A_884, %add3A_883, %select_n3A_872 : vector<64x256xi1>, vector<64x256xf32>
    %jit3A_886 = arith.constant 67 : i32
    %broadcast_in_dim3A_887 = vector.broadcast %jit3A_886 : i32 to vector<64x256xi32>
    %select_n3A_888 = arith.select %lt3A_884, %broadcast_in_dim3A_887, %select_n3A_875 : vector<64x256xi1>, vector<64x256xi32>
    %slice3A_889 = vector.extract_strided_slice %dot_general3A_10 {offsets = [4352, 0], sizes = [64, 256], strides = [1, 1]} : vector<8192x256xf32> to vector<64x256xf32>
    %add3A_890 = vector.broadcast %transpose3A : vector<1x256xf32> to vector<64x256xf32>
    %add3A_891 = arith.addf %add3A_890, %slice3A_889 : vector<64x256xf32>
    %get3A_892 = arith.constant 4352 : index
    %get3A_893 = arith.constant 0 : index
    %get3A_894 = vector.load %arg4[%get3A_892, %get3A_893] : memref<8192x1xf32, #tpu.memory_space<vmem>>, vector<64x1xf32>
    %add3A_895 = vector.broadcast %get3A_894 : vector<64x1xf32> to vector<64x256xf32>
    %add3A_896 = arith.addf %add3A_891, %add3A_895 : vector<64x256xf32>
    %lt3A_897 = arith.cmpf olt, %add3A_896, %select_n3A_885 : vector<64x256xf32>
    %select_n3A_898 = arith.select %lt3A_897, %add3A_896, %select_n3A_885 : vector<64x256xi1>, vector<64x256xf32>
    %jit3A_899 = arith.constant 68 : i32
    %broadcast_in_dim3A_900 = vector.broadcast %jit3A_899 : i32 to vector<64x256xi32>
    %select_n3A_901 = arith.select %lt3A_897, %broadcast_in_dim3A_900, %select_n3A_888 : vector<64x256xi1>, vector<64x256xi32>
    %slice3A_902 = vector.extract_strided_slice %dot_general3A_10 {offsets = [4416, 0], sizes = [64, 256], strides = [1, 1]} : vector<8192x256xf32> to vector<64x256xf32>
    %add3A_903 = vector.broadcast %transpose3A : vector<1x256xf32> to vector<64x256xf32>
    %add3A_904 = arith.addf %add3A_903, %slice3A_902 : vector<64x256xf32>
    %get3A_905 = arith.constant 4416 : index
    %get3A_906 = arith.constant 0 : index
    %get3A_907 = vector.load %arg4[%get3A_905, %get3A_906] : memref<8192x1xf32, #tpu.memory_space<vmem>>, vector<64x1xf32>
    %add3A_908 = vector.broadcast %get3A_907 : vector<64x1xf32> to vector<64x256xf32>
    %add3A_909 = arith.addf %add3A_904, %add3A_908 : vector<64x256xf32>
    %lt3A_910 = arith.cmpf olt, %add3A_909, %select_n3A_898 : vector<64x256xf32>
    %select_n3A_911 = arith.select %lt3A_910, %add3A_909, %select_n3A_898 : vector<64x256xi1>, vector<64x256xf32>
    %jit3A_912 = arith.constant 69 : i32
    %broadcast_in_dim3A_913 = vector.broadcast %jit3A_912 : i32 to vector<64x256xi32>
    %select_n3A_914 = arith.select %lt3A_910, %broadcast_in_dim3A_913, %select_n3A_901 : vector<64x256xi1>, vector<64x256xi32>
    %slice3A_915 = vector.extract_strided_slice %dot_general3A_10 {offsets = [4480, 0], sizes = [64, 256], strides = [1, 1]} : vector<8192x256xf32> to vector<64x256xf32>
    %add3A_916 = vector.broadcast %transpose3A : vector<1x256xf32> to vector<64x256xf32>
    %add3A_917 = arith.addf %add3A_916, %slice3A_915 : vector<64x256xf32>
    %get3A_918 = arith.constant 4480 : index
    %get3A_919 = arith.constant 0 : index
    %get3A_920 = vector.load %arg4[%get3A_918, %get3A_919] : memref<8192x1xf32, #tpu.memory_space<vmem>>, vector<64x1xf32>
    %add3A_921 = vector.broadcast %get3A_920 : vector<64x1xf32> to vector<64x256xf32>
    %add3A_922 = arith.addf %add3A_917, %add3A_921 : vector<64x256xf32>
    %lt3A_923 = arith.cmpf olt, %add3A_922, %select_n3A_911 : vector<64x256xf32>
    %select_n3A_924 = arith.select %lt3A_923, %add3A_922, %select_n3A_911 : vector<64x256xi1>, vector<64x256xf32>
    %jit3A_925 = arith.constant 70 : i32
    %broadcast_in_dim3A_926 = vector.broadcast %jit3A_925 : i32 to vector<64x256xi32>
    %select_n3A_927 = arith.select %lt3A_923, %broadcast_in_dim3A_926, %select_n3A_914 : vector<64x256xi1>, vector<64x256xi32>
    %slice3A_928 = vector.extract_strided_slice %dot_general3A_10 {offsets = [4544, 0], sizes = [64, 256], strides = [1, 1]} : vector<8192x256xf32> to vector<64x256xf32>
    %add3A_929 = vector.broadcast %transpose3A : vector<1x256xf32> to vector<64x256xf32>
    %add3A_930 = arith.addf %add3A_929, %slice3A_928 : vector<64x256xf32>
    %get3A_931 = arith.constant 4544 : index
    %get3A_932 = arith.constant 0 : index
    %get3A_933 = vector.load %arg4[%get3A_931, %get3A_932] : memref<8192x1xf32, #tpu.memory_space<vmem>>, vector<64x1xf32>
    %add3A_934 = vector.broadcast %get3A_933 : vector<64x1xf32> to vector<64x256xf32>
    %add3A_935 = arith.addf %add3A_930, %add3A_934 : vector<64x256xf32>
    %lt3A_936 = arith.cmpf olt, %add3A_935, %select_n3A_924 : vector<64x256xf32>
    %select_n3A_937 = arith.select %lt3A_936, %add3A_935, %select_n3A_924 : vector<64x256xi1>, vector<64x256xf32>
    %jit3A_938 = arith.constant 71 : i32
    %broadcast_in_dim3A_939 = vector.broadcast %jit3A_938 : i32 to vector<64x256xi32>
    %select_n3A_940 = arith.select %lt3A_936, %broadcast_in_dim3A_939, %select_n3A_927 : vector<64x256xi1>, vector<64x256xi32>
    %slice3A_941 = vector.extract_strided_slice %dot_general3A_10 {offsets = [4608, 0], sizes = [64, 256], strides = [1, 1]} : vector<8192x256xf32> to vector<64x256xf32>
    %add3A_942 = vector.broadcast %transpose3A : vector<1x256xf32> to vector<64x256xf32>
    %add3A_943 = arith.addf %add3A_942, %slice3A_941 : vector<64x256xf32>
    %get3A_944 = arith.constant 4608 : index
    %get3A_945 = arith.constant 0 : index
    %get3A_946 = vector.load %arg4[%get3A_944, %get3A_945] : memref<8192x1xf32, #tpu.memory_space<vmem>>, vector<64x1xf32>
    %add3A_947 = vector.broadcast %get3A_946 : vector<64x1xf32> to vector<64x256xf32>
    %add3A_948 = arith.addf %add3A_943, %add3A_947 : vector<64x256xf32>
    %lt3A_949 = arith.cmpf olt, %add3A_948, %select_n3A_937 : vector<64x256xf32>
    %select_n3A_950 = arith.select %lt3A_949, %add3A_948, %select_n3A_937 : vector<64x256xi1>, vector<64x256xf32>
    %jit3A_951 = arith.constant 72 : i32
    %broadcast_in_dim3A_952 = vector.broadcast %jit3A_951 : i32 to vector<64x256xi32>
    %select_n3A_953 = arith.select %lt3A_949, %broadcast_in_dim3A_952, %select_n3A_940 : vector<64x256xi1>, vector<64x256xi32>
    %slice3A_954 = vector.extract_strided_slice %dot_general3A_10 {offsets = [4672, 0], sizes = [64, 256], strides = [1, 1]} : vector<8192x256xf32> to vector<64x256xf32>
    %add3A_955 = vector.broadcast %transpose3A : vector<1x256xf32> to vector<64x256xf32>
    %add3A_956 = arith.addf %add3A_955, %slice3A_954 : vector<64x256xf32>
    %get3A_957 = arith.constant 4672 : index
    %get3A_958 = arith.constant 0 : index
    %get3A_959 = vector.load %arg4[%get3A_957, %get3A_958] : memref<8192x1xf32, #tpu.memory_space<vmem>>, vector<64x1xf32>
    %add3A_960 = vector.broadcast %get3A_959 : vector<64x1xf32> to vector<64x256xf32>
    %add3A_961 = arith.addf %add3A_956, %add3A_960 : vector<64x256xf32>
    %lt3A_962 = arith.cmpf olt, %add3A_961, %select_n3A_950 : vector<64x256xf32>
    %select_n3A_963 = arith.select %lt3A_962, %add3A_961, %select_n3A_950 : vector<64x256xi1>, vector<64x256xf32>
    %jit3A_964 = arith.constant 73 : i32
    %broadcast_in_dim3A_965 = vector.broadcast %jit3A_964 : i32 to vector<64x256xi32>
    %select_n3A_966 = arith.select %lt3A_962, %broadcast_in_dim3A_965, %select_n3A_953 : vector<64x256xi1>, vector<64x256xi32>
    %slice3A_967 = vector.extract_strided_slice %dot_general3A_10 {offsets = [4736, 0], sizes = [64, 256], strides = [1, 1]} : vector<8192x256xf32> to vector<64x256xf32>
    %add3A_968 = vector.broadcast %transpose3A : vector<1x256xf32> to vector<64x256xf32>
    %add3A_969 = arith.addf %add3A_968, %slice3A_967 : vector<64x256xf32>
    %get3A_970 = arith.constant 4736 : index
    %get3A_971 = arith.constant 0 : index
    %get3A_972 = vector.load %arg4[%get3A_970, %get3A_971] : memref<8192x1xf32, #tpu.memory_space<vmem>>, vector<64x1xf32>
    %add3A_973 = vector.broadcast %get3A_972 : vector<64x1xf32> to vector<64x256xf32>
    %add3A_974 = arith.addf %add3A_969, %add3A_973 : vector<64x256xf32>
    %lt3A_975 = arith.cmpf olt, %add3A_974, %select_n3A_963 : vector<64x256xf32>
    %select_n3A_976 = arith.select %lt3A_975, %add3A_974, %select_n3A_963 : vector<64x256xi1>, vector<64x256xf32>
    %jit3A_977 = arith.constant 74 : i32
    %broadcast_in_dim3A_978 = vector.broadcast %jit3A_977 : i32 to vector<64x256xi32>
    %select_n3A_979 = arith.select %lt3A_975, %broadcast_in_dim3A_978, %select_n3A_966 : vector<64x256xi1>, vector<64x256xi32>
    %slice3A_980 = vector.extract_strided_slice %dot_general3A_10 {offsets = [4800, 0], sizes = [64, 256], strides = [1, 1]} : vector<8192x256xf32> to vector<64x256xf32>
    %add3A_981 = vector.broadcast %transpose3A : vector<1x256xf32> to vector<64x256xf32>
    %add3A_982 = arith.addf %add3A_981, %slice3A_980 : vector<64x256xf32>
    %get3A_983 = arith.constant 4800 : index
    %get3A_984 = arith.constant 0 : index
    %get3A_985 = vector.load %arg4[%get3A_983, %get3A_984] : memref<8192x1xf32, #tpu.memory_space<vmem>>, vector<64x1xf32>
    %add3A_986 = vector.broadcast %get3A_985 : vector<64x1xf32> to vector<64x256xf32>
    %add3A_987 = arith.addf %add3A_982, %add3A_986 : vector<64x256xf32>
    %lt3A_988 = arith.cmpf olt, %add3A_987, %select_n3A_976 : vector<64x256xf32>
    %select_n3A_989 = arith.select %lt3A_988, %add3A_987, %select_n3A_976 : vector<64x256xi1>, vector<64x256xf32>
    %jit3A_990 = arith.constant 75 : i32
    %broadcast_in_dim3A_991 = vector.broadcast %jit3A_990 : i32 to vector<64x256xi32>
    %select_n3A_992 = arith.select %lt3A_988, %broadcast_in_dim3A_991, %select_n3A_979 : vector<64x256xi1>, vector<64x256xi32>
    %slice3A_993 = vector.extract_strided_slice %dot_general3A_10 {offsets = [4864, 0], sizes = [64, 256], strides = [1, 1]} : vector<8192x256xf32> to vector<64x256xf32>
    %add3A_994 = vector.broadcast %transpose3A : vector<1x256xf32> to vector<64x256xf32>
    %add3A_995 = arith.addf %add3A_994, %slice3A_993 : vector<64x256xf32>
    %get3A_996 = arith.constant 4864 : index
    %get3A_997 = arith.constant 0 : index
    %get3A_998 = vector.load %arg4[%get3A_996, %get3A_997] : memref<8192x1xf32, #tpu.memory_space<vmem>>, vector<64x1xf32>
    %add3A_999 = vector.broadcast %get3A_998 : vector<64x1xf32> to vector<64x256xf32>
    %add3A_1000 = arith.addf %add3A_995, %add3A_999 : vector<64x256xf32>
    %lt3A_1001 = arith.cmpf olt, %add3A_1000, %select_n3A_989 : vector<64x256xf32>
    %select_n3A_1002 = arith.select %lt3A_1001, %add3A_1000, %select_n3A_989 : vector<64x256xi1>, vector<64x256xf32>
    %jit3A_1003 = arith.constant 76 : i32
    %broadcast_in_dim3A_1004 = vector.broadcast %jit3A_1003 : i32 to vector<64x256xi32>
    %select_n3A_1005 = arith.select %lt3A_1001, %broadcast_in_dim3A_1004, %select_n3A_992 : vector<64x256xi1>, vector<64x256xi32>
    %slice3A_1006 = vector.extract_strided_slice %dot_general3A_10 {offsets = [4928, 0], sizes = [64, 256], strides = [1, 1]} : vector<8192x256xf32> to vector<64x256xf32>
    %add3A_1007 = vector.broadcast %transpose3A : vector<1x256xf32> to vector<64x256xf32>
    %add3A_1008 = arith.addf %add3A_1007, %slice3A_1006 : vector<64x256xf32>
    %get3A_1009 = arith.constant 4928 : index
    %get3A_1010 = arith.constant 0 : index
    %get3A_1011 = vector.load %arg4[%get3A_1009, %get3A_1010] : memref<8192x1xf32, #tpu.memory_space<vmem>>, vector<64x1xf32>
    %add3A_1012 = vector.broadcast %get3A_1011 : vector<64x1xf32> to vector<64x256xf32>
    %add3A_1013 = arith.addf %add3A_1008, %add3A_1012 : vector<64x256xf32>
    %lt3A_1014 = arith.cmpf olt, %add3A_1013, %select_n3A_1002 : vector<64x256xf32>
    %select_n3A_1015 = arith.select %lt3A_1014, %add3A_1013, %select_n3A_1002 : vector<64x256xi1>, vector<64x256xf32>
    %jit3A_1016 = arith.constant 77 : i32
    %broadcast_in_dim3A_1017 = vector.broadcast %jit3A_1016 : i32 to vector<64x256xi32>
    %select_n3A_1018 = arith.select %lt3A_1014, %broadcast_in_dim3A_1017, %select_n3A_1005 : vector<64x256xi1>, vector<64x256xi32>
    %slice3A_1019 = vector.extract_strided_slice %dot_general3A_10 {offsets = [4992, 0], sizes = [64, 256], strides = [1, 1]} : vector<8192x256xf32> to vector<64x256xf32>
    %add3A_1020 = vector.broadcast %transpose3A : vector<1x256xf32> to vector<64x256xf32>
    %add3A_1021 = arith.addf %add3A_1020, %slice3A_1019 : vector<64x256xf32>
    %get3A_1022 = arith.constant 4992 : index
    %get3A_1023 = arith.constant 0 : index
    %get3A_1024 = vector.load %arg4[%get3A_1022, %get3A_1023] : memref<8192x1xf32, #tpu.memory_space<vmem>>, vector<64x1xf32>
    %add3A_1025 = vector.broadcast %get3A_1024 : vector<64x1xf32> to vector<64x256xf32>
    %add3A_1026 = arith.addf %add3A_1021, %add3A_1025 : vector<64x256xf32>
    %lt3A_1027 = arith.cmpf olt, %add3A_1026, %select_n3A_1015 : vector<64x256xf32>
    %select_n3A_1028 = arith.select %lt3A_1027, %add3A_1026, %select_n3A_1015 : vector<64x256xi1>, vector<64x256xf32>
    %jit3A_1029 = arith.constant 78 : i32
    %broadcast_in_dim3A_1030 = vector.broadcast %jit3A_1029 : i32 to vector<64x256xi32>
    %select_n3A_1031 = arith.select %lt3A_1027, %broadcast_in_dim3A_1030, %select_n3A_1018 : vector<64x256xi1>, vector<64x256xi32>
    %slice3A_1032 = vector.extract_strided_slice %dot_general3A_10 {offsets = [5056, 0], sizes = [64, 256], strides = [1, 1]} : vector<8192x256xf32> to vector<64x256xf32>
    %add3A_1033 = vector.broadcast %transpose3A : vector<1x256xf32> to vector<64x256xf32>
    %add3A_1034 = arith.addf %add3A_1033, %slice3A_1032 : vector<64x256xf32>
    %get3A_1035 = arith.constant 5056 : index
    %get3A_1036 = arith.constant 0 : index
    %get3A_1037 = vector.load %arg4[%get3A_1035, %get3A_1036] : memref<8192x1xf32, #tpu.memory_space<vmem>>, vector<64x1xf32>
    %add3A_1038 = vector.broadcast %get3A_1037 : vector<64x1xf32> to vector<64x256xf32>
    %add3A_1039 = arith.addf %add3A_1034, %add3A_1038 : vector<64x256xf32>
    %lt3A_1040 = arith.cmpf olt, %add3A_1039, %select_n3A_1028 : vector<64x256xf32>
    %select_n3A_1041 = arith.select %lt3A_1040, %add3A_1039, %select_n3A_1028 : vector<64x256xi1>, vector<64x256xf32>
    %jit3A_1042 = arith.constant 79 : i32
    %broadcast_in_dim3A_1043 = vector.broadcast %jit3A_1042 : i32 to vector<64x256xi32>
    %select_n3A_1044 = arith.select %lt3A_1040, %broadcast_in_dim3A_1043, %select_n3A_1031 : vector<64x256xi1>, vector<64x256xi32>
    %slice3A_1045 = vector.extract_strided_slice %dot_general3A_10 {offsets = [5120, 0], sizes = [64, 256], strides = [1, 1]} : vector<8192x256xf32> to vector<64x256xf32>
    %add3A_1046 = vector.broadcast %transpose3A : vector<1x256xf32> to vector<64x256xf32>
    %add3A_1047 = arith.addf %add3A_1046, %slice3A_1045 : vector<64x256xf32>
    %get3A_1048 = arith.constant 5120 : index
    %get3A_1049 = arith.constant 0 : index
    %get3A_1050 = vector.load %arg4[%get3A_1048, %get3A_1049] : memref<8192x1xf32, #tpu.memory_space<vmem>>, vector<64x1xf32>
    %add3A_1051 = vector.broadcast %get3A_1050 : vector<64x1xf32> to vector<64x256xf32>
    %add3A_1052 = arith.addf %add3A_1047, %add3A_1051 : vector<64x256xf32>
    %lt3A_1053 = arith.cmpf olt, %add3A_1052, %select_n3A_1041 : vector<64x256xf32>
    %select_n3A_1054 = arith.select %lt3A_1053, %add3A_1052, %select_n3A_1041 : vector<64x256xi1>, vector<64x256xf32>
    %jit3A_1055 = arith.constant 80 : i32
    %broadcast_in_dim3A_1056 = vector.broadcast %jit3A_1055 : i32 to vector<64x256xi32>
    %select_n3A_1057 = arith.select %lt3A_1053, %broadcast_in_dim3A_1056, %select_n3A_1044 : vector<64x256xi1>, vector<64x256xi32>
    %slice3A_1058 = vector.extract_strided_slice %dot_general3A_10 {offsets = [5184, 0], sizes = [64, 256], strides = [1, 1]} : vector<8192x256xf32> to vector<64x256xf32>
    %add3A_1059 = vector.broadcast %transpose3A : vector<1x256xf32> to vector<64x256xf32>
    %add3A_1060 = arith.addf %add3A_1059, %slice3A_1058 : vector<64x256xf32>
    %get3A_1061 = arith.constant 5184 : index
    %get3A_1062 = arith.constant 0 : index
    %get3A_1063 = vector.load %arg4[%get3A_1061, %get3A_1062] : memref<8192x1xf32, #tpu.memory_space<vmem>>, vector<64x1xf32>
    %add3A_1064 = vector.broadcast %get3A_1063 : vector<64x1xf32> to vector<64x256xf32>
    %add3A_1065 = arith.addf %add3A_1060, %add3A_1064 : vector<64x256xf32>
    %lt3A_1066 = arith.cmpf olt, %add3A_1065, %select_n3A_1054 : vector<64x256xf32>
    %select_n3A_1067 = arith.select %lt3A_1066, %add3A_1065, %select_n3A_1054 : vector<64x256xi1>, vector<64x256xf32>
    %jit3A_1068 = arith.constant 81 : i32
    %broadcast_in_dim3A_1069 = vector.broadcast %jit3A_1068 : i32 to vector<64x256xi32>
    %select_n3A_1070 = arith.select %lt3A_1066, %broadcast_in_dim3A_1069, %select_n3A_1057 : vector<64x256xi1>, vector<64x256xi32>
    %slice3A_1071 = vector.extract_strided_slice %dot_general3A_10 {offsets = [5248, 0], sizes = [64, 256], strides = [1, 1]} : vector<8192x256xf32> to vector<64x256xf32>
    %add3A_1072 = vector.broadcast %transpose3A : vector<1x256xf32> to vector<64x256xf32>
    %add3A_1073 = arith.addf %add3A_1072, %slice3A_1071 : vector<64x256xf32>
    %get3A_1074 = arith.constant 5248 : index
    %get3A_1075 = arith.constant 0 : index
    %get3A_1076 = vector.load %arg4[%get3A_1074, %get3A_1075] : memref<8192x1xf32, #tpu.memory_space<vmem>>, vector<64x1xf32>
    %add3A_1077 = vector.broadcast %get3A_1076 : vector<64x1xf32> to vector<64x256xf32>
    %add3A_1078 = arith.addf %add3A_1073, %add3A_1077 : vector<64x256xf32>
    %lt3A_1079 = arith.cmpf olt, %add3A_1078, %select_n3A_1067 : vector<64x256xf32>
    %select_n3A_1080 = arith.select %lt3A_1079, %add3A_1078, %select_n3A_1067 : vector<64x256xi1>, vector<64x256xf32>
    %jit3A_1081 = arith.constant 82 : i32
    %broadcast_in_dim3A_1082 = vector.broadcast %jit3A_1081 : i32 to vector<64x256xi32>
    %select_n3A_1083 = arith.select %lt3A_1079, %broadcast_in_dim3A_1082, %select_n3A_1070 : vector<64x256xi1>, vector<64x256xi32>
    %slice3A_1084 = vector.extract_strided_slice %dot_general3A_10 {offsets = [5312, 0], sizes = [64, 256], strides = [1, 1]} : vector<8192x256xf32> to vector<64x256xf32>
    %add3A_1085 = vector.broadcast %transpose3A : vector<1x256xf32> to vector<64x256xf32>
    %add3A_1086 = arith.addf %add3A_1085, %slice3A_1084 : vector<64x256xf32>
    %get3A_1087 = arith.constant 5312 : index
    %get3A_1088 = arith.constant 0 : index
    %get3A_1089 = vector.load %arg4[%get3A_1087, %get3A_1088] : memref<8192x1xf32, #tpu.memory_space<vmem>>, vector<64x1xf32>
    %add3A_1090 = vector.broadcast %get3A_1089 : vector<64x1xf32> to vector<64x256xf32>
    %add3A_1091 = arith.addf %add3A_1086, %add3A_1090 : vector<64x256xf32>
    %lt3A_1092 = arith.cmpf olt, %add3A_1091, %select_n3A_1080 : vector<64x256xf32>
    %select_n3A_1093 = arith.select %lt3A_1092, %add3A_1091, %select_n3A_1080 : vector<64x256xi1>, vector<64x256xf32>
    %jit3A_1094 = arith.constant 83 : i32
    %broadcast_in_dim3A_1095 = vector.broadcast %jit3A_1094 : i32 to vector<64x256xi32>
    %select_n3A_1096 = arith.select %lt3A_1092, %broadcast_in_dim3A_1095, %select_n3A_1083 : vector<64x256xi1>, vector<64x256xi32>
    %slice3A_1097 = vector.extract_strided_slice %dot_general3A_10 {offsets = [5376, 0], sizes = [64, 256], strides = [1, 1]} : vector<8192x256xf32> to vector<64x256xf32>
    %add3A_1098 = vector.broadcast %transpose3A : vector<1x256xf32> to vector<64x256xf32>
    %add3A_1099 = arith.addf %add3A_1098, %slice3A_1097 : vector<64x256xf32>
    %get3A_1100 = arith.constant 5376 : index
    %get3A_1101 = arith.constant 0 : index
    %get3A_1102 = vector.load %arg4[%get3A_1100, %get3A_1101] : memref<8192x1xf32, #tpu.memory_space<vmem>>, vector<64x1xf32>
    %add3A_1103 = vector.broadcast %get3A_1102 : vector<64x1xf32> to vector<64x256xf32>
    %add3A_1104 = arith.addf %add3A_1099, %add3A_1103 : vector<64x256xf32>
    %lt3A_1105 = arith.cmpf olt, %add3A_1104, %select_n3A_1093 : vector<64x256xf32>
    %select_n3A_1106 = arith.select %lt3A_1105, %add3A_1104, %select_n3A_1093 : vector<64x256xi1>, vector<64x256xf32>
    %jit3A_1107 = arith.constant 84 : i32
    %broadcast_in_dim3A_1108 = vector.broadcast %jit3A_1107 : i32 to vector<64x256xi32>
    %select_n3A_1109 = arith.select %lt3A_1105, %broadcast_in_dim3A_1108, %select_n3A_1096 : vector<64x256xi1>, vector<64x256xi32>
    %slice3A_1110 = vector.extract_strided_slice %dot_general3A_10 {offsets = [5440, 0], sizes = [64, 256], strides = [1, 1]} : vector<8192x256xf32> to vector<64x256xf32>
    %add3A_1111 = vector.broadcast %transpose3A : vector<1x256xf32> to vector<64x256xf32>
    %add3A_1112 = arith.addf %add3A_1111, %slice3A_1110 : vector<64x256xf32>
    %get3A_1113 = arith.constant 5440 : index
    %get3A_1114 = arith.constant 0 : index
    %get3A_1115 = vector.load %arg4[%get3A_1113, %get3A_1114] : memref<8192x1xf32, #tpu.memory_space<vmem>>, vector<64x1xf32>
    %add3A_1116 = vector.broadcast %get3A_1115 : vector<64x1xf32> to vector<64x256xf32>
    %add3A_1117 = arith.addf %add3A_1112, %add3A_1116 : vector<64x256xf32>
    %lt3A_1118 = arith.cmpf olt, %add3A_1117, %select_n3A_1106 : vector<64x256xf32>
    %select_n3A_1119 = arith.select %lt3A_1118, %add3A_1117, %select_n3A_1106 : vector<64x256xi1>, vector<64x256xf32>
    %jit3A_1120 = arith.constant 85 : i32
    %broadcast_in_dim3A_1121 = vector.broadcast %jit3A_1120 : i32 to vector<64x256xi32>
    %select_n3A_1122 = arith.select %lt3A_1118, %broadcast_in_dim3A_1121, %select_n3A_1109 : vector<64x256xi1>, vector<64x256xi32>
    %slice3A_1123 = vector.extract_strided_slice %dot_general3A_10 {offsets = [5504, 0], sizes = [64, 256], strides = [1, 1]} : vector<8192x256xf32> to vector<64x256xf32>
    %add3A_1124 = vector.broadcast %transpose3A : vector<1x256xf32> to vector<64x256xf32>
    %add3A_1125 = arith.addf %add3A_1124, %slice3A_1123 : vector<64x256xf32>
    %get3A_1126 = arith.constant 5504 : index
    %get3A_1127 = arith.constant 0 : index
    %get3A_1128 = vector.load %arg4[%get3A_1126, %get3A_1127] : memref<8192x1xf32, #tpu.memory_space<vmem>>, vector<64x1xf32>
    %add3A_1129 = vector.broadcast %get3A_1128 : vector<64x1xf32> to vector<64x256xf32>
    %add3A_1130 = arith.addf %add3A_1125, %add3A_1129 : vector<64x256xf32>
    %lt3A_1131 = arith.cmpf olt, %add3A_1130, %select_n3A_1119 : vector<64x256xf32>
    %select_n3A_1132 = arith.select %lt3A_1131, %add3A_1130, %select_n3A_1119 : vector<64x256xi1>, vector<64x256xf32>
    %jit3A_1133 = arith.constant 86 : i32
    %broadcast_in_dim3A_1134 = vector.broadcast %jit3A_1133 : i32 to vector<64x256xi32>
    %select_n3A_1135 = arith.select %lt3A_1131, %broadcast_in_dim3A_1134, %select_n3A_1122 : vector<64x256xi1>, vector<64x256xi32>
    %slice3A_1136 = vector.extract_strided_slice %dot_general3A_10 {offsets = [5568, 0], sizes = [64, 256], strides = [1, 1]} : vector<8192x256xf32> to vector<64x256xf32>
    %add3A_1137 = vector.broadcast %transpose3A : vector<1x256xf32> to vector<64x256xf32>
    %add3A_1138 = arith.addf %add3A_1137, %slice3A_1136 : vector<64x256xf32>
    %get3A_1139 = arith.constant 5568 : index
    %get3A_1140 = arith.constant 0 : index
    %get3A_1141 = vector.load %arg4[%get3A_1139, %get3A_1140] : memref<8192x1xf32, #tpu.memory_space<vmem>>, vector<64x1xf32>
    %add3A_1142 = vector.broadcast %get3A_1141 : vector<64x1xf32> to vector<64x256xf32>
    %add3A_1143 = arith.addf %add3A_1138, %add3A_1142 : vector<64x256xf32>
    %lt3A_1144 = arith.cmpf olt, %add3A_1143, %select_n3A_1132 : vector<64x256xf32>
    %select_n3A_1145 = arith.select %lt3A_1144, %add3A_1143, %select_n3A_1132 : vector<64x256xi1>, vector<64x256xf32>
    %jit3A_1146 = arith.constant 87 : i32
    %broadcast_in_dim3A_1147 = vector.broadcast %jit3A_1146 : i32 to vector<64x256xi32>
    %select_n3A_1148 = arith.select %lt3A_1144, %broadcast_in_dim3A_1147, %select_n3A_1135 : vector<64x256xi1>, vector<64x256xi32>
    %slice3A_1149 = vector.extract_strided_slice %dot_general3A_10 {offsets = [5632, 0], sizes = [64, 256], strides = [1, 1]} : vector<8192x256xf32> to vector<64x256xf32>
    %add3A_1150 = vector.broadcast %transpose3A : vector<1x256xf32> to vector<64x256xf32>
    %add3A_1151 = arith.addf %add3A_1150, %slice3A_1149 : vector<64x256xf32>
    %get3A_1152 = arith.constant 5632 : index
    %get3A_1153 = arith.constant 0 : index
    %get3A_1154 = vector.load %arg4[%get3A_1152, %get3A_1153] : memref<8192x1xf32, #tpu.memory_space<vmem>>, vector<64x1xf32>
    %add3A_1155 = vector.broadcast %get3A_1154 : vector<64x1xf32> to vector<64x256xf32>
    %add3A_1156 = arith.addf %add3A_1151, %add3A_1155 : vector<64x256xf32>
    %lt3A_1157 = arith.cmpf olt, %add3A_1156, %select_n3A_1145 : vector<64x256xf32>
    %select_n3A_1158 = arith.select %lt3A_1157, %add3A_1156, %select_n3A_1145 : vector<64x256xi1>, vector<64x256xf32>
    %jit3A_1159 = arith.constant 88 : i32
    %broadcast_in_dim3A_1160 = vector.broadcast %jit3A_1159 : i32 to vector<64x256xi32>
    %select_n3A_1161 = arith.select %lt3A_1157, %broadcast_in_dim3A_1160, %select_n3A_1148 : vector<64x256xi1>, vector<64x256xi32>
    %slice3A_1162 = vector.extract_strided_slice %dot_general3A_10 {offsets = [5696, 0], sizes = [64, 256], strides = [1, 1]} : vector<8192x256xf32> to vector<64x256xf32>
    %add3A_1163 = vector.broadcast %transpose3A : vector<1x256xf32> to vector<64x256xf32>
    %add3A_1164 = arith.addf %add3A_1163, %slice3A_1162 : vector<64x256xf32>
    %get3A_1165 = arith.constant 5696 : index
    %get3A_1166 = arith.constant 0 : index
    %get3A_1167 = vector.load %arg4[%get3A_1165, %get3A_1166] : memref<8192x1xf32, #tpu.memory_space<vmem>>, vector<64x1xf32>
    %add3A_1168 = vector.broadcast %get3A_1167 : vector<64x1xf32> to vector<64x256xf32>
    %add3A_1169 = arith.addf %add3A_1164, %add3A_1168 : vector<64x256xf32>
    %lt3A_1170 = arith.cmpf olt, %add3A_1169, %select_n3A_1158 : vector<64x256xf32>
    %select_n3A_1171 = arith.select %lt3A_1170, %add3A_1169, %select_n3A_1158 : vector<64x256xi1>, vector<64x256xf32>
    %jit3A_1172 = arith.constant 89 : i32
    %broadcast_in_dim3A_1173 = vector.broadcast %jit3A_1172 : i32 to vector<64x256xi32>
    %select_n3A_1174 = arith.select %lt3A_1170, %broadcast_in_dim3A_1173, %select_n3A_1161 : vector<64x256xi1>, vector<64x256xi32>
    %slice3A_1175 = vector.extract_strided_slice %dot_general3A_10 {offsets = [5760, 0], sizes = [64, 256], strides = [1, 1]} : vector<8192x256xf32> to vector<64x256xf32>
    %add3A_1176 = vector.broadcast %transpose3A : vector<1x256xf32> to vector<64x256xf32>
    %add3A_1177 = arith.addf %add3A_1176, %slice3A_1175 : vector<64x256xf32>
    %get3A_1178 = arith.constant 5760 : index
    %get3A_1179 = arith.constant 0 : index
    %get3A_1180 = vector.load %arg4[%get3A_1178, %get3A_1179] : memref<8192x1xf32, #tpu.memory_space<vmem>>, vector<64x1xf32>
    %add3A_1181 = vector.broadcast %get3A_1180 : vector<64x1xf32> to vector<64x256xf32>
    %add3A_1182 = arith.addf %add3A_1177, %add3A_1181 : vector<64x256xf32>
    %lt3A_1183 = arith.cmpf olt, %add3A_1182, %select_n3A_1171 : vector<64x256xf32>
    %select_n3A_1184 = arith.select %lt3A_1183, %add3A_1182, %select_n3A_1171 : vector<64x256xi1>, vector<64x256xf32>
    %jit3A_1185 = arith.constant 90 : i32
    %broadcast_in_dim3A_1186 = vector.broadcast %jit3A_1185 : i32 to vector<64x256xi32>
    %select_n3A_1187 = arith.select %lt3A_1183, %broadcast_in_dim3A_1186, %select_n3A_1174 : vector<64x256xi1>, vector<64x256xi32>
    %slice3A_1188 = vector.extract_strided_slice %dot_general3A_10 {offsets = [5824, 0], sizes = [64, 256], strides = [1, 1]} : vector<8192x256xf32> to vector<64x256xf32>
    %add3A_1189 = vector.broadcast %transpose3A : vector<1x256xf32> to vector<64x256xf32>
    %add3A_1190 = arith.addf %add3A_1189, %slice3A_1188 : vector<64x256xf32>
    %get3A_1191 = arith.constant 5824 : index
    %get3A_1192 = arith.constant 0 : index
    %get3A_1193 = vector.load %arg4[%get3A_1191, %get3A_1192] : memref<8192x1xf32, #tpu.memory_space<vmem>>, vector<64x1xf32>
    %add3A_1194 = vector.broadcast %get3A_1193 : vector<64x1xf32> to vector<64x256xf32>
    %add3A_1195 = arith.addf %add3A_1190, %add3A_1194 : vector<64x256xf32>
    %lt3A_1196 = arith.cmpf olt, %add3A_1195, %select_n3A_1184 : vector<64x256xf32>
    %select_n3A_1197 = arith.select %lt3A_1196, %add3A_1195, %select_n3A_1184 : vector<64x256xi1>, vector<64x256xf32>
    %jit3A_1198 = arith.constant 91 : i32
    %broadcast_in_dim3A_1199 = vector.broadcast %jit3A_1198 : i32 to vector<64x256xi32>
    %select_n3A_1200 = arith.select %lt3A_1196, %broadcast_in_dim3A_1199, %select_n3A_1187 : vector<64x256xi1>, vector<64x256xi32>
    %slice3A_1201 = vector.extract_strided_slice %dot_general3A_10 {offsets = [5888, 0], sizes = [64, 256], strides = [1, 1]} : vector<8192x256xf32> to vector<64x256xf32>
    %add3A_1202 = vector.broadcast %transpose3A : vector<1x256xf32> to vector<64x256xf32>
    %add3A_1203 = arith.addf %add3A_1202, %slice3A_1201 : vector<64x256xf32>
    %get3A_1204 = arith.constant 5888 : index
    %get3A_1205 = arith.constant 0 : index
    %get3A_1206 = vector.load %arg4[%get3A_1204, %get3A_1205] : memref<8192x1xf32, #tpu.memory_space<vmem>>, vector<64x1xf32>
    %add3A_1207 = vector.broadcast %get3A_1206 : vector<64x1xf32> to vector<64x256xf32>
    %add3A_1208 = arith.addf %add3A_1203, %add3A_1207 : vector<64x256xf32>
    %lt3A_1209 = arith.cmpf olt, %add3A_1208, %select_n3A_1197 : vector<64x256xf32>
    %select_n3A_1210 = arith.select %lt3A_1209, %add3A_1208, %select_n3A_1197 : vector<64x256xi1>, vector<64x256xf32>
    %jit3A_1211 = arith.constant 92 : i32
    %broadcast_in_dim3A_1212 = vector.broadcast %jit3A_1211 : i32 to vector<64x256xi32>
    %select_n3A_1213 = arith.select %lt3A_1209, %broadcast_in_dim3A_1212, %select_n3A_1200 : vector<64x256xi1>, vector<64x256xi32>
    %slice3A_1214 = vector.extract_strided_slice %dot_general3A_10 {offsets = [5952, 0], sizes = [64, 256], strides = [1, 1]} : vector<8192x256xf32> to vector<64x256xf32>
    %add3A_1215 = vector.broadcast %transpose3A : vector<1x256xf32> to vector<64x256xf32>
    %add3A_1216 = arith.addf %add3A_1215, %slice3A_1214 : vector<64x256xf32>
    %get3A_1217 = arith.constant 5952 : index
    %get3A_1218 = arith.constant 0 : index
    %get3A_1219 = vector.load %arg4[%get3A_1217, %get3A_1218] : memref<8192x1xf32, #tpu.memory_space<vmem>>, vector<64x1xf32>
    %add3A_1220 = vector.broadcast %get3A_1219 : vector<64x1xf32> to vector<64x256xf32>
    %add3A_1221 = arith.addf %add3A_1216, %add3A_1220 : vector<64x256xf32>
    %lt3A_1222 = arith.cmpf olt, %add3A_1221, %select_n3A_1210 : vector<64x256xf32>
    %select_n3A_1223 = arith.select %lt3A_1222, %add3A_1221, %select_n3A_1210 : vector<64x256xi1>, vector<64x256xf32>
    %jit3A_1224 = arith.constant 93 : i32
    %broadcast_in_dim3A_1225 = vector.broadcast %jit3A_1224 : i32 to vector<64x256xi32>
    %select_n3A_1226 = arith.select %lt3A_1222, %broadcast_in_dim3A_1225, %select_n3A_1213 : vector<64x256xi1>, vector<64x256xi32>
    %slice3A_1227 = vector.extract_strided_slice %dot_general3A_10 {offsets = [6016, 0], sizes = [64, 256], strides = [1, 1]} : vector<8192x256xf32> to vector<64x256xf32>
    %add3A_1228 = vector.broadcast %transpose3A : vector<1x256xf32> to vector<64x256xf32>
    %add3A_1229 = arith.addf %add3A_1228, %slice3A_1227 : vector<64x256xf32>
    %get3A_1230 = arith.constant 6016 : index
    %get3A_1231 = arith.constant 0 : index
    %get3A_1232 = vector.load %arg4[%get3A_1230, %get3A_1231] : memref<8192x1xf32, #tpu.memory_space<vmem>>, vector<64x1xf32>
    %add3A_1233 = vector.broadcast %get3A_1232 : vector<64x1xf32> to vector<64x256xf32>
    %add3A_1234 = arith.addf %add3A_1229, %add3A_1233 : vector<64x256xf32>
    %lt3A_1235 = arith.cmpf olt, %add3A_1234, %select_n3A_1223 : vector<64x256xf32>
    %select_n3A_1236 = arith.select %lt3A_1235, %add3A_1234, %select_n3A_1223 : vector<64x256xi1>, vector<64x256xf32>
    %jit3A_1237 = arith.constant 94 : i32
    %broadcast_in_dim3A_1238 = vector.broadcast %jit3A_1237 : i32 to vector<64x256xi32>
    %select_n3A_1239 = arith.select %lt3A_1235, %broadcast_in_dim3A_1238, %select_n3A_1226 : vector<64x256xi1>, vector<64x256xi32>
    %slice3A_1240 = vector.extract_strided_slice %dot_general3A_10 {offsets = [6080, 0], sizes = [64, 256], strides = [1, 1]} : vector<8192x256xf32> to vector<64x256xf32>
    %add3A_1241 = vector.broadcast %transpose3A : vector<1x256xf32> to vector<64x256xf32>
    %add3A_1242 = arith.addf %add3A_1241, %slice3A_1240 : vector<64x256xf32>
    %get3A_1243 = arith.constant 6080 : index
    %get3A_1244 = arith.constant 0 : index
    %get3A_1245 = vector.load %arg4[%get3A_1243, %get3A_1244] : memref<8192x1xf32, #tpu.memory_space<vmem>>, vector<64x1xf32>
    %add3A_1246 = vector.broadcast %get3A_1245 : vector<64x1xf32> to vector<64x256xf32>
    %add3A_1247 = arith.addf %add3A_1242, %add3A_1246 : vector<64x256xf32>
    %lt3A_1248 = arith.cmpf olt, %add3A_1247, %select_n3A_1236 : vector<64x256xf32>
    %select_n3A_1249 = arith.select %lt3A_1248, %add3A_1247, %select_n3A_1236 : vector<64x256xi1>, vector<64x256xf32>
    %jit3A_1250 = arith.constant 95 : i32
    %broadcast_in_dim3A_1251 = vector.broadcast %jit3A_1250 : i32 to vector<64x256xi32>
    %select_n3A_1252 = arith.select %lt3A_1248, %broadcast_in_dim3A_1251, %select_n3A_1239 : vector<64x256xi1>, vector<64x256xi32>
    %slice3A_1253 = vector.extract_strided_slice %dot_general3A_10 {offsets = [6144, 0], sizes = [64, 256], strides = [1, 1]} : vector<8192x256xf32> to vector<64x256xf32>
    %add3A_1254 = vector.broadcast %transpose3A : vector<1x256xf32> to vector<64x256xf32>
    %add3A_1255 = arith.addf %add3A_1254, %slice3A_1253 : vector<64x256xf32>
    %get3A_1256 = arith.constant 6144 : index
    %get3A_1257 = arith.constant 0 : index
    %get3A_1258 = vector.load %arg4[%get3A_1256, %get3A_1257] : memref<8192x1xf32, #tpu.memory_space<vmem>>, vector<64x1xf32>
    %add3A_1259 = vector.broadcast %get3A_1258 : vector<64x1xf32> to vector<64x256xf32>
    %add3A_1260 = arith.addf %add3A_1255, %add3A_1259 : vector<64x256xf32>
    %lt3A_1261 = arith.cmpf olt, %add3A_1260, %select_n3A_1249 : vector<64x256xf32>
    %select_n3A_1262 = arith.select %lt3A_1261, %add3A_1260, %select_n3A_1249 : vector<64x256xi1>, vector<64x256xf32>
    %jit3A_1263 = arith.constant 96 : i32
    %broadcast_in_dim3A_1264 = vector.broadcast %jit3A_1263 : i32 to vector<64x256xi32>
    %select_n3A_1265 = arith.select %lt3A_1261, %broadcast_in_dim3A_1264, %select_n3A_1252 : vector<64x256xi1>, vector<64x256xi32>
    %slice3A_1266 = vector.extract_strided_slice %dot_general3A_10 {offsets = [6208, 0], sizes = [64, 256], strides = [1, 1]} : vector<8192x256xf32> to vector<64x256xf32>
    %add3A_1267 = vector.broadcast %transpose3A : vector<1x256xf32> to vector<64x256xf32>
    %add3A_1268 = arith.addf %add3A_1267, %slice3A_1266 : vector<64x256xf32>
    %get3A_1269 = arith.constant 6208 : index
    %get3A_1270 = arith.constant 0 : index
    %get3A_1271 = vector.load %arg4[%get3A_1269, %get3A_1270] : memref<8192x1xf32, #tpu.memory_space<vmem>>, vector<64x1xf32>
    %add3A_1272 = vector.broadcast %get3A_1271 : vector<64x1xf32> to vector<64x256xf32>
    %add3A_1273 = arith.addf %add3A_1268, %add3A_1272 : vector<64x256xf32>
    %lt3A_1274 = arith.cmpf olt, %add3A_1273, %select_n3A_1262 : vector<64x256xf32>
    %select_n3A_1275 = arith.select %lt3A_1274, %add3A_1273, %select_n3A_1262 : vector<64x256xi1>, vector<64x256xf32>
    %jit3A_1276 = arith.constant 97 : i32
    %broadcast_in_dim3A_1277 = vector.broadcast %jit3A_1276 : i32 to vector<64x256xi32>
    %select_n3A_1278 = arith.select %lt3A_1274, %broadcast_in_dim3A_1277, %select_n3A_1265 : vector<64x256xi1>, vector<64x256xi32>
    %slice3A_1279 = vector.extract_strided_slice %dot_general3A_10 {offsets = [6272, 0], sizes = [64, 256], strides = [1, 1]} : vector<8192x256xf32> to vector<64x256xf32>
    %add3A_1280 = vector.broadcast %transpose3A : vector<1x256xf32> to vector<64x256xf32>
    %add3A_1281 = arith.addf %add3A_1280, %slice3A_1279 : vector<64x256xf32>
    %get3A_1282 = arith.constant 6272 : index
    %get3A_1283 = arith.constant 0 : index
    %get3A_1284 = vector.load %arg4[%get3A_1282, %get3A_1283] : memref<8192x1xf32, #tpu.memory_space<vmem>>, vector<64x1xf32>
    %add3A_1285 = vector.broadcast %get3A_1284 : vector<64x1xf32> to vector<64x256xf32>
    %add3A_1286 = arith.addf %add3A_1281, %add3A_1285 : vector<64x256xf32>
    %lt3A_1287 = arith.cmpf olt, %add3A_1286, %select_n3A_1275 : vector<64x256xf32>
    %select_n3A_1288 = arith.select %lt3A_1287, %add3A_1286, %select_n3A_1275 : vector<64x256xi1>, vector<64x256xf32>
    %jit3A_1289 = arith.constant 98 : i32
    %broadcast_in_dim3A_1290 = vector.broadcast %jit3A_1289 : i32 to vector<64x256xi32>
    %select_n3A_1291 = arith.select %lt3A_1287, %broadcast_in_dim3A_1290, %select_n3A_1278 : vector<64x256xi1>, vector<64x256xi32>
    %slice3A_1292 = vector.extract_strided_slice %dot_general3A_10 {offsets = [6336, 0], sizes = [64, 256], strides = [1, 1]} : vector<8192x256xf32> to vector<64x256xf32>
    %add3A_1293 = vector.broadcast %transpose3A : vector<1x256xf32> to vector<64x256xf32>
    %add3A_1294 = arith.addf %add3A_1293, %slice3A_1292 : vector<64x256xf32>
    %get3A_1295 = arith.constant 6336 : index
    %get3A_1296 = arith.constant 0 : index
    %get3A_1297 = vector.load %arg4[%get3A_1295, %get3A_1296] : memref<8192x1xf32, #tpu.memory_space<vmem>>, vector<64x1xf32>
    %add3A_1298 = vector.broadcast %get3A_1297 : vector<64x1xf32> to vector<64x256xf32>
    %add3A_1299 = arith.addf %add3A_1294, %add3A_1298 : vector<64x256xf32>
    %lt3A_1300 = arith.cmpf olt, %add3A_1299, %select_n3A_1288 : vector<64x256xf32>
    %select_n3A_1301 = arith.select %lt3A_1300, %add3A_1299, %select_n3A_1288 : vector<64x256xi1>, vector<64x256xf32>
    %jit3A_1302 = arith.constant 99 : i32
    %broadcast_in_dim3A_1303 = vector.broadcast %jit3A_1302 : i32 to vector<64x256xi32>
    %select_n3A_1304 = arith.select %lt3A_1300, %broadcast_in_dim3A_1303, %select_n3A_1291 : vector<64x256xi1>, vector<64x256xi32>
    %slice3A_1305 = vector.extract_strided_slice %dot_general3A_10 {offsets = [6400, 0], sizes = [64, 256], strides = [1, 1]} : vector<8192x256xf32> to vector<64x256xf32>
    %add3A_1306 = vector.broadcast %transpose3A : vector<1x256xf32> to vector<64x256xf32>
    %add3A_1307 = arith.addf %add3A_1306, %slice3A_1305 : vector<64x256xf32>
    %get3A_1308 = arith.constant 6400 : index
    %get3A_1309 = arith.constant 0 : index
    %get3A_1310 = vector.load %arg4[%get3A_1308, %get3A_1309] : memref<8192x1xf32, #tpu.memory_space<vmem>>, vector<64x1xf32>
    %add3A_1311 = vector.broadcast %get3A_1310 : vector<64x1xf32> to vector<64x256xf32>
    %add3A_1312 = arith.addf %add3A_1307, %add3A_1311 : vector<64x256xf32>
    %lt3A_1313 = arith.cmpf olt, %add3A_1312, %select_n3A_1301 : vector<64x256xf32>
    %select_n3A_1314 = arith.select %lt3A_1313, %add3A_1312, %select_n3A_1301 : vector<64x256xi1>, vector<64x256xf32>
    %jit3A_1315 = arith.constant 100 : i32
    %broadcast_in_dim3A_1316 = vector.broadcast %jit3A_1315 : i32 to vector<64x256xi32>
    %select_n3A_1317 = arith.select %lt3A_1313, %broadcast_in_dim3A_1316, %select_n3A_1304 : vector<64x256xi1>, vector<64x256xi32>
    %slice3A_1318 = vector.extract_strided_slice %dot_general3A_10 {offsets = [6464, 0], sizes = [64, 256], strides = [1, 1]} : vector<8192x256xf32> to vector<64x256xf32>
    %add3A_1319 = vector.broadcast %transpose3A : vector<1x256xf32> to vector<64x256xf32>
    %add3A_1320 = arith.addf %add3A_1319, %slice3A_1318 : vector<64x256xf32>
    %get3A_1321 = arith.constant 6464 : index
    %get3A_1322 = arith.constant 0 : index
    %get3A_1323 = vector.load %arg4[%get3A_1321, %get3A_1322] : memref<8192x1xf32, #tpu.memory_space<vmem>>, vector<64x1xf32>
    %add3A_1324 = vector.broadcast %get3A_1323 : vector<64x1xf32> to vector<64x256xf32>
    %add3A_1325 = arith.addf %add3A_1320, %add3A_1324 : vector<64x256xf32>
    %lt3A_1326 = arith.cmpf olt, %add3A_1325, %select_n3A_1314 : vector<64x256xf32>
    %select_n3A_1327 = arith.select %lt3A_1326, %add3A_1325, %select_n3A_1314 : vector<64x256xi1>, vector<64x256xf32>
    %jit3A_1328 = arith.constant 101 : i32
    %broadcast_in_dim3A_1329 = vector.broadcast %jit3A_1328 : i32 to vector<64x256xi32>
    %select_n3A_1330 = arith.select %lt3A_1326, %broadcast_in_dim3A_1329, %select_n3A_1317 : vector<64x256xi1>, vector<64x256xi32>
    %slice3A_1331 = vector.extract_strided_slice %dot_general3A_10 {offsets = [6528, 0], sizes = [64, 256], strides = [1, 1]} : vector<8192x256xf32> to vector<64x256xf32>
    %add3A_1332 = vector.broadcast %transpose3A : vector<1x256xf32> to vector<64x256xf32>
    %add3A_1333 = arith.addf %add3A_1332, %slice3A_1331 : vector<64x256xf32>
    %get3A_1334 = arith.constant 6528 : index
    %get3A_1335 = arith.constant 0 : index
    %get3A_1336 = vector.load %arg4[%get3A_1334, %get3A_1335] : memref<8192x1xf32, #tpu.memory_space<vmem>>, vector<64x1xf32>
    %add3A_1337 = vector.broadcast %get3A_1336 : vector<64x1xf32> to vector<64x256xf32>
    %add3A_1338 = arith.addf %add3A_1333, %add3A_1337 : vector<64x256xf32>
    %lt3A_1339 = arith.cmpf olt, %add3A_1338, %select_n3A_1327 : vector<64x256xf32>
    %select_n3A_1340 = arith.select %lt3A_1339, %add3A_1338, %select_n3A_1327 : vector<64x256xi1>, vector<64x256xf32>
    %jit3A_1341 = arith.constant 102 : i32
    %broadcast_in_dim3A_1342 = vector.broadcast %jit3A_1341 : i32 to vector<64x256xi32>
    %select_n3A_1343 = arith.select %lt3A_1339, %broadcast_in_dim3A_1342, %select_n3A_1330 : vector<64x256xi1>, vector<64x256xi32>
    %slice3A_1344 = vector.extract_strided_slice %dot_general3A_10 {offsets = [6592, 0], sizes = [64, 256], strides = [1, 1]} : vector<8192x256xf32> to vector<64x256xf32>
    %add3A_1345 = vector.broadcast %transpose3A : vector<1x256xf32> to vector<64x256xf32>
    %add3A_1346 = arith.addf %add3A_1345, %slice3A_1344 : vector<64x256xf32>
    %get3A_1347 = arith.constant 6592 : index
    %get3A_1348 = arith.constant 0 : index
    %get3A_1349 = vector.load %arg4[%get3A_1347, %get3A_1348] : memref<8192x1xf32, #tpu.memory_space<vmem>>, vector<64x1xf32>
    %add3A_1350 = vector.broadcast %get3A_1349 : vector<64x1xf32> to vector<64x256xf32>
    %add3A_1351 = arith.addf %add3A_1346, %add3A_1350 : vector<64x256xf32>
    %lt3A_1352 = arith.cmpf olt, %add3A_1351, %select_n3A_1340 : vector<64x256xf32>
    %select_n3A_1353 = arith.select %lt3A_1352, %add3A_1351, %select_n3A_1340 : vector<64x256xi1>, vector<64x256xf32>
    %jit3A_1354 = arith.constant 103 : i32
    %broadcast_in_dim3A_1355 = vector.broadcast %jit3A_1354 : i32 to vector<64x256xi32>
    %select_n3A_1356 = arith.select %lt3A_1352, %broadcast_in_dim3A_1355, %select_n3A_1343 : vector<64x256xi1>, vector<64x256xi32>
    %slice3A_1357 = vector.extract_strided_slice %dot_general3A_10 {offsets = [6656, 0], sizes = [64, 256], strides = [1, 1]} : vector<8192x256xf32> to vector<64x256xf32>
    %add3A_1358 = vector.broadcast %transpose3A : vector<1x256xf32> to vector<64x256xf32>
    %add3A_1359 = arith.addf %add3A_1358, %slice3A_1357 : vector<64x256xf32>
    %get3A_1360 = arith.constant 6656 : index
    %get3A_1361 = arith.constant 0 : index
    %get3A_1362 = vector.load %arg4[%get3A_1360, %get3A_1361] : memref<8192x1xf32, #tpu.memory_space<vmem>>, vector<64x1xf32>
    %add3A_1363 = vector.broadcast %get3A_1362 : vector<64x1xf32> to vector<64x256xf32>
    %add3A_1364 = arith.addf %add3A_1359, %add3A_1363 : vector<64x256xf32>
    %lt3A_1365 = arith.cmpf olt, %add3A_1364, %select_n3A_1353 : vector<64x256xf32>
    %select_n3A_1366 = arith.select %lt3A_1365, %add3A_1364, %select_n3A_1353 : vector<64x256xi1>, vector<64x256xf32>
    %jit3A_1367 = arith.constant 104 : i32
    %broadcast_in_dim3A_1368 = vector.broadcast %jit3A_1367 : i32 to vector<64x256xi32>
    %select_n3A_1369 = arith.select %lt3A_1365, %broadcast_in_dim3A_1368, %select_n3A_1356 : vector<64x256xi1>, vector<64x256xi32>
    %slice3A_1370 = vector.extract_strided_slice %dot_general3A_10 {offsets = [6720, 0], sizes = [64, 256], strides = [1, 1]} : vector<8192x256xf32> to vector<64x256xf32>
    %add3A_1371 = vector.broadcast %transpose3A : vector<1x256xf32> to vector<64x256xf32>
    %add3A_1372 = arith.addf %add3A_1371, %slice3A_1370 : vector<64x256xf32>
    %get3A_1373 = arith.constant 6720 : index
    %get3A_1374 = arith.constant 0 : index
    %get3A_1375 = vector.load %arg4[%get3A_1373, %get3A_1374] : memref<8192x1xf32, #tpu.memory_space<vmem>>, vector<64x1xf32>
    %add3A_1376 = vector.broadcast %get3A_1375 : vector<64x1xf32> to vector<64x256xf32>
    %add3A_1377 = arith.addf %add3A_1372, %add3A_1376 : vector<64x256xf32>
    %lt3A_1378 = arith.cmpf olt, %add3A_1377, %select_n3A_1366 : vector<64x256xf32>
    %select_n3A_1379 = arith.select %lt3A_1378, %add3A_1377, %select_n3A_1366 : vector<64x256xi1>, vector<64x256xf32>
    %jit3A_1380 = arith.constant 105 : i32
    %broadcast_in_dim3A_1381 = vector.broadcast %jit3A_1380 : i32 to vector<64x256xi32>
    %select_n3A_1382 = arith.select %lt3A_1378, %broadcast_in_dim3A_1381, %select_n3A_1369 : vector<64x256xi1>, vector<64x256xi32>
    %slice3A_1383 = vector.extract_strided_slice %dot_general3A_10 {offsets = [6784, 0], sizes = [64, 256], strides = [1, 1]} : vector<8192x256xf32> to vector<64x256xf32>
    %add3A_1384 = vector.broadcast %transpose3A : vector<1x256xf32> to vector<64x256xf32>
    %add3A_1385 = arith.addf %add3A_1384, %slice3A_1383 : vector<64x256xf32>
    %get3A_1386 = arith.constant 6784 : index
    %get3A_1387 = arith.constant 0 : index
    %get3A_1388 = vector.load %arg4[%get3A_1386, %get3A_1387] : memref<8192x1xf32, #tpu.memory_space<vmem>>, vector<64x1xf32>
    %add3A_1389 = vector.broadcast %get3A_1388 : vector<64x1xf32> to vector<64x256xf32>
    %add3A_1390 = arith.addf %add3A_1385, %add3A_1389 : vector<64x256xf32>
    %lt3A_1391 = arith.cmpf olt, %add3A_1390, %select_n3A_1379 : vector<64x256xf32>
    %select_n3A_1392 = arith.select %lt3A_1391, %add3A_1390, %select_n3A_1379 : vector<64x256xi1>, vector<64x256xf32>
    %jit3A_1393 = arith.constant 106 : i32
    %broadcast_in_dim3A_1394 = vector.broadcast %jit3A_1393 : i32 to vector<64x256xi32>
    %select_n3A_1395 = arith.select %lt3A_1391, %broadcast_in_dim3A_1394, %select_n3A_1382 : vector<64x256xi1>, vector<64x256xi32>
    %slice3A_1396 = vector.extract_strided_slice %dot_general3A_10 {offsets = [6848, 0], sizes = [64, 256], strides = [1, 1]} : vector<8192x256xf32> to vector<64x256xf32>
    %add3A_1397 = vector.broadcast %transpose3A : vector<1x256xf32> to vector<64x256xf32>
    %add3A_1398 = arith.addf %add3A_1397, %slice3A_1396 : vector<64x256xf32>
    %get3A_1399 = arith.constant 6848 : index
    %get3A_1400 = arith.constant 0 : index
    %get3A_1401 = vector.load %arg4[%get3A_1399, %get3A_1400] : memref<8192x1xf32, #tpu.memory_space<vmem>>, vector<64x1xf32>
    %add3A_1402 = vector.broadcast %get3A_1401 : vector<64x1xf32> to vector<64x256xf32>
    %add3A_1403 = arith.addf %add3A_1398, %add3A_1402 : vector<64x256xf32>
    %lt3A_1404 = arith.cmpf olt, %add3A_1403, %select_n3A_1392 : vector<64x256xf32>
    %select_n3A_1405 = arith.select %lt3A_1404, %add3A_1403, %select_n3A_1392 : vector<64x256xi1>, vector<64x256xf32>
    %jit3A_1406 = arith.constant 107 : i32
    %broadcast_in_dim3A_1407 = vector.broadcast %jit3A_1406 : i32 to vector<64x256xi32>
    %select_n3A_1408 = arith.select %lt3A_1404, %broadcast_in_dim3A_1407, %select_n3A_1395 : vector<64x256xi1>, vector<64x256xi32>
    %slice3A_1409 = vector.extract_strided_slice %dot_general3A_10 {offsets = [6912, 0], sizes = [64, 256], strides = [1, 1]} : vector<8192x256xf32> to vector<64x256xf32>
    %add3A_1410 = vector.broadcast %transpose3A : vector<1x256xf32> to vector<64x256xf32>
    %add3A_1411 = arith.addf %add3A_1410, %slice3A_1409 : vector<64x256xf32>
    %get3A_1412 = arith.constant 6912 : index
    %get3A_1413 = arith.constant 0 : index
    %get3A_1414 = vector.load %arg4[%get3A_1412, %get3A_1413] : memref<8192x1xf32, #tpu.memory_space<vmem>>, vector<64x1xf32>
    %add3A_1415 = vector.broadcast %get3A_1414 : vector<64x1xf32> to vector<64x256xf32>
    %add3A_1416 = arith.addf %add3A_1411, %add3A_1415 : vector<64x256xf32>
    %lt3A_1417 = arith.cmpf olt, %add3A_1416, %select_n3A_1405 : vector<64x256xf32>
    %select_n3A_1418 = arith.select %lt3A_1417, %add3A_1416, %select_n3A_1405 : vector<64x256xi1>, vector<64x256xf32>
    %jit3A_1419 = arith.constant 108 : i32
    %broadcast_in_dim3A_1420 = vector.broadcast %jit3A_1419 : i32 to vector<64x256xi32>
    %select_n3A_1421 = arith.select %lt3A_1417, %broadcast_in_dim3A_1420, %select_n3A_1408 : vector<64x256xi1>, vector<64x256xi32>
    %slice3A_1422 = vector.extract_strided_slice %dot_general3A_10 {offsets = [6976, 0], sizes = [64, 256], strides = [1, 1]} : vector<8192x256xf32> to vector<64x256xf32>
    %add3A_1423 = vector.broadcast %transpose3A : vector<1x256xf32> to vector<64x256xf32>
    %add3A_1424 = arith.addf %add3A_1423, %slice3A_1422 : vector<64x256xf32>
    %get3A_1425 = arith.constant 6976 : index
    %get3A_1426 = arith.constant 0 : index
    %get3A_1427 = vector.load %arg4[%get3A_1425, %get3A_1426] : memref<8192x1xf32, #tpu.memory_space<vmem>>, vector<64x1xf32>
    %add3A_1428 = vector.broadcast %get3A_1427 : vector<64x1xf32> to vector<64x256xf32>
    %add3A_1429 = arith.addf %add3A_1424, %add3A_1428 : vector<64x256xf32>
    %lt3A_1430 = arith.cmpf olt, %add3A_1429, %select_n3A_1418 : vector<64x256xf32>
    %select_n3A_1431 = arith.select %lt3A_1430, %add3A_1429, %select_n3A_1418 : vector<64x256xi1>, vector<64x256xf32>
    %jit3A_1432 = arith.constant 109 : i32
    %broadcast_in_dim3A_1433 = vector.broadcast %jit3A_1432 : i32 to vector<64x256xi32>
    %select_n3A_1434 = arith.select %lt3A_1430, %broadcast_in_dim3A_1433, %select_n3A_1421 : vector<64x256xi1>, vector<64x256xi32>
    %slice3A_1435 = vector.extract_strided_slice %dot_general3A_10 {offsets = [7040, 0], sizes = [64, 256], strides = [1, 1]} : vector<8192x256xf32> to vector<64x256xf32>
    %add3A_1436 = vector.broadcast %transpose3A : vector<1x256xf32> to vector<64x256xf32>
    %add3A_1437 = arith.addf %add3A_1436, %slice3A_1435 : vector<64x256xf32>
    %get3A_1438 = arith.constant 7040 : index
    %get3A_1439 = arith.constant 0 : index
    %get3A_1440 = vector.load %arg4[%get3A_1438, %get3A_1439] : memref<8192x1xf32, #tpu.memory_space<vmem>>, vector<64x1xf32>
    %add3A_1441 = vector.broadcast %get3A_1440 : vector<64x1xf32> to vector<64x256xf32>
    %add3A_1442 = arith.addf %add3A_1437, %add3A_1441 : vector<64x256xf32>
    %lt3A_1443 = arith.cmpf olt, %add3A_1442, %select_n3A_1431 : vector<64x256xf32>
    %select_n3A_1444 = arith.select %lt3A_1443, %add3A_1442, %select_n3A_1431 : vector<64x256xi1>, vector<64x256xf32>
    %jit3A_1445 = arith.constant 110 : i32
    %broadcast_in_dim3A_1446 = vector.broadcast %jit3A_1445 : i32 to vector<64x256xi32>
    %select_n3A_1447 = arith.select %lt3A_1443, %broadcast_in_dim3A_1446, %select_n3A_1434 : vector<64x256xi1>, vector<64x256xi32>
    %slice3A_1448 = vector.extract_strided_slice %dot_general3A_10 {offsets = [7104, 0], sizes = [64, 256], strides = [1, 1]} : vector<8192x256xf32> to vector<64x256xf32>
    %add3A_1449 = vector.broadcast %transpose3A : vector<1x256xf32> to vector<64x256xf32>
    %add3A_1450 = arith.addf %add3A_1449, %slice3A_1448 : vector<64x256xf32>
    %get3A_1451 = arith.constant 7104 : index
    %get3A_1452 = arith.constant 0 : index
    %get3A_1453 = vector.load %arg4[%get3A_1451, %get3A_1452] : memref<8192x1xf32, #tpu.memory_space<vmem>>, vector<64x1xf32>
    %add3A_1454 = vector.broadcast %get3A_1453 : vector<64x1xf32> to vector<64x256xf32>
    %add3A_1455 = arith.addf %add3A_1450, %add3A_1454 : vector<64x256xf32>
    %lt3A_1456 = arith.cmpf olt, %add3A_1455, %select_n3A_1444 : vector<64x256xf32>
    %select_n3A_1457 = arith.select %lt3A_1456, %add3A_1455, %select_n3A_1444 : vector<64x256xi1>, vector<64x256xf32>
    %jit3A_1458 = arith.constant 111 : i32
    %broadcast_in_dim3A_1459 = vector.broadcast %jit3A_1458 : i32 to vector<64x256xi32>
    %select_n3A_1460 = arith.select %lt3A_1456, %broadcast_in_dim3A_1459, %select_n3A_1447 : vector<64x256xi1>, vector<64x256xi32>
    %slice3A_1461 = vector.extract_strided_slice %dot_general3A_10 {offsets = [7168, 0], sizes = [64, 256], strides = [1, 1]} : vector<8192x256xf32> to vector<64x256xf32>
    %add3A_1462 = vector.broadcast %transpose3A : vector<1x256xf32> to vector<64x256xf32>
    %add3A_1463 = arith.addf %add3A_1462, %slice3A_1461 : vector<64x256xf32>
    %get3A_1464 = arith.constant 7168 : index
    %get3A_1465 = arith.constant 0 : index
    %get3A_1466 = vector.load %arg4[%get3A_1464, %get3A_1465] : memref<8192x1xf32, #tpu.memory_space<vmem>>, vector<64x1xf32>
    %add3A_1467 = vector.broadcast %get3A_1466 : vector<64x1xf32> to vector<64x256xf32>
    %add3A_1468 = arith.addf %add3A_1463, %add3A_1467 : vector<64x256xf32>
    %lt3A_1469 = arith.cmpf olt, %add3A_1468, %select_n3A_1457 : vector<64x256xf32>
    %select_n3A_1470 = arith.select %lt3A_1469, %add3A_1468, %select_n3A_1457 : vector<64x256xi1>, vector<64x256xf32>
    %jit3A_1471 = arith.constant 112 : i32
    %broadcast_in_dim3A_1472 = vector.broadcast %jit3A_1471 : i32 to vector<64x256xi32>
    %select_n3A_1473 = arith.select %lt3A_1469, %broadcast_in_dim3A_1472, %select_n3A_1460 : vector<64x256xi1>, vector<64x256xi32>
    %slice3A_1474 = vector.extract_strided_slice %dot_general3A_10 {offsets = [7232, 0], sizes = [64, 256], strides = [1, 1]} : vector<8192x256xf32> to vector<64x256xf32>
    %add3A_1475 = vector.broadcast %transpose3A : vector<1x256xf32> to vector<64x256xf32>
    %add3A_1476 = arith.addf %add3A_1475, %slice3A_1474 : vector<64x256xf32>
    %get3A_1477 = arith.constant 7232 : index
    %get3A_1478 = arith.constant 0 : index
    %get3A_1479 = vector.load %arg4[%get3A_1477, %get3A_1478] : memref<8192x1xf32, #tpu.memory_space<vmem>>, vector<64x1xf32>
    %add3A_1480 = vector.broadcast %get3A_1479 : vector<64x1xf32> to vector<64x256xf32>
    %add3A_1481 = arith.addf %add3A_1476, %add3A_1480 : vector<64x256xf32>
    %lt3A_1482 = arith.cmpf olt, %add3A_1481, %select_n3A_1470 : vector<64x256xf32>
    %select_n3A_1483 = arith.select %lt3A_1482, %add3A_1481, %select_n3A_1470 : vector<64x256xi1>, vector<64x256xf32>
    %jit3A_1484 = arith.constant 113 : i32
    %broadcast_in_dim3A_1485 = vector.broadcast %jit3A_1484 : i32 to vector<64x256xi32>
    %select_n3A_1486 = arith.select %lt3A_1482, %broadcast_in_dim3A_1485, %select_n3A_1473 : vector<64x256xi1>, vector<64x256xi32>
    %slice3A_1487 = vector.extract_strided_slice %dot_general3A_10 {offsets = [7296, 0], sizes = [64, 256], strides = [1, 1]} : vector<8192x256xf32> to vector<64x256xf32>
    %add3A_1488 = vector.broadcast %transpose3A : vector<1x256xf32> to vector<64x256xf32>
    %add3A_1489 = arith.addf %add3A_1488, %slice3A_1487 : vector<64x256xf32>
    %get3A_1490 = arith.constant 7296 : index
    %get3A_1491 = arith.constant 0 : index
    %get3A_1492 = vector.load %arg4[%get3A_1490, %get3A_1491] : memref<8192x1xf32, #tpu.memory_space<vmem>>, vector<64x1xf32>
    %add3A_1493 = vector.broadcast %get3A_1492 : vector<64x1xf32> to vector<64x256xf32>
    %add3A_1494 = arith.addf %add3A_1489, %add3A_1493 : vector<64x256xf32>
    %lt3A_1495 = arith.cmpf olt, %add3A_1494, %select_n3A_1483 : vector<64x256xf32>
    %select_n3A_1496 = arith.select %lt3A_1495, %add3A_1494, %select_n3A_1483 : vector<64x256xi1>, vector<64x256xf32>
    %jit3A_1497 = arith.constant 114 : i32
    %broadcast_in_dim3A_1498 = vector.broadcast %jit3A_1497 : i32 to vector<64x256xi32>
    %select_n3A_1499 = arith.select %lt3A_1495, %broadcast_in_dim3A_1498, %select_n3A_1486 : vector<64x256xi1>, vector<64x256xi32>
    %slice3A_1500 = vector.extract_strided_slice %dot_general3A_10 {offsets = [7360, 0], sizes = [64, 256], strides = [1, 1]} : vector<8192x256xf32> to vector<64x256xf32>
    %add3A_1501 = vector.broadcast %transpose3A : vector<1x256xf32> to vector<64x256xf32>
    %add3A_1502 = arith.addf %add3A_1501, %slice3A_1500 : vector<64x256xf32>
    %get3A_1503 = arith.constant 7360 : index
    %get3A_1504 = arith.constant 0 : index
    %get3A_1505 = vector.load %arg4[%get3A_1503, %get3A_1504] : memref<8192x1xf32, #tpu.memory_space<vmem>>, vector<64x1xf32>
    %add3A_1506 = vector.broadcast %get3A_1505 : vector<64x1xf32> to vector<64x256xf32>
    %add3A_1507 = arith.addf %add3A_1502, %add3A_1506 : vector<64x256xf32>
    %lt3A_1508 = arith.cmpf olt, %add3A_1507, %select_n3A_1496 : vector<64x256xf32>
    %select_n3A_1509 = arith.select %lt3A_1508, %add3A_1507, %select_n3A_1496 : vector<64x256xi1>, vector<64x256xf32>
    %jit3A_1510 = arith.constant 115 : i32
    %broadcast_in_dim3A_1511 = vector.broadcast %jit3A_1510 : i32 to vector<64x256xi32>
    %select_n3A_1512 = arith.select %lt3A_1508, %broadcast_in_dim3A_1511, %select_n3A_1499 : vector<64x256xi1>, vector<64x256xi32>
    %slice3A_1513 = vector.extract_strided_slice %dot_general3A_10 {offsets = [7424, 0], sizes = [64, 256], strides = [1, 1]} : vector<8192x256xf32> to vector<64x256xf32>
    %add3A_1514 = vector.broadcast %transpose3A : vector<1x256xf32> to vector<64x256xf32>
    %add3A_1515 = arith.addf %add3A_1514, %slice3A_1513 : vector<64x256xf32>
    %get3A_1516 = arith.constant 7424 : index
    %get3A_1517 = arith.constant 0 : index
    %get3A_1518 = vector.load %arg4[%get3A_1516, %get3A_1517] : memref<8192x1xf32, #tpu.memory_space<vmem>>, vector<64x1xf32>
    %add3A_1519 = vector.broadcast %get3A_1518 : vector<64x1xf32> to vector<64x256xf32>
    %add3A_1520 = arith.addf %add3A_1515, %add3A_1519 : vector<64x256xf32>
    %lt3A_1521 = arith.cmpf olt, %add3A_1520, %select_n3A_1509 : vector<64x256xf32>
    %select_n3A_1522 = arith.select %lt3A_1521, %add3A_1520, %select_n3A_1509 : vector<64x256xi1>, vector<64x256xf32>
    %jit3A_1523 = arith.constant 116 : i32
    %broadcast_in_dim3A_1524 = vector.broadcast %jit3A_1523 : i32 to vector<64x256xi32>
    %select_n3A_1525 = arith.select %lt3A_1521, %broadcast_in_dim3A_1524, %select_n3A_1512 : vector<64x256xi1>, vector<64x256xi32>
    %slice3A_1526 = vector.extract_strided_slice %dot_general3A_10 {offsets = [7488, 0], sizes = [64, 256], strides = [1, 1]} : vector<8192x256xf32> to vector<64x256xf32>
    %add3A_1527 = vector.broadcast %transpose3A : vector<1x256xf32> to vector<64x256xf32>
    %add3A_1528 = arith.addf %add3A_1527, %slice3A_1526 : vector<64x256xf32>
    %get3A_1529 = arith.constant 7488 : index
    %get3A_1530 = arith.constant 0 : index
    %get3A_1531 = vector.load %arg4[%get3A_1529, %get3A_1530] : memref<8192x1xf32, #tpu.memory_space<vmem>>, vector<64x1xf32>
    %add3A_1532 = vector.broadcast %get3A_1531 : vector<64x1xf32> to vector<64x256xf32>
    %add3A_1533 = arith.addf %add3A_1528, %add3A_1532 : vector<64x256xf32>
    %lt3A_1534 = arith.cmpf olt, %add3A_1533, %select_n3A_1522 : vector<64x256xf32>
    %select_n3A_1535 = arith.select %lt3A_1534, %add3A_1533, %select_n3A_1522 : vector<64x256xi1>, vector<64x256xf32>
    %jit3A_1536 = arith.constant 117 : i32
    %broadcast_in_dim3A_1537 = vector.broadcast %jit3A_1536 : i32 to vector<64x256xi32>
    %select_n3A_1538 = arith.select %lt3A_1534, %broadcast_in_dim3A_1537, %select_n3A_1525 : vector<64x256xi1>, vector<64x256xi32>
    %slice3A_1539 = vector.extract_strided_slice %dot_general3A_10 {offsets = [7552, 0], sizes = [64, 256], strides = [1, 1]} : vector<8192x256xf32> to vector<64x256xf32>
    %add3A_1540 = vector.broadcast %transpose3A : vector<1x256xf32> to vector<64x256xf32>
    %add3A_1541 = arith.addf %add3A_1540, %slice3A_1539 : vector<64x256xf32>
    %get3A_1542 = arith.constant 7552 : index
    %get3A_1543 = arith.constant 0 : index
    %get3A_1544 = vector.load %arg4[%get3A_1542, %get3A_1543] : memref<8192x1xf32, #tpu.memory_space<vmem>>, vector<64x1xf32>
    %add3A_1545 = vector.broadcast %get3A_1544 : vector<64x1xf32> to vector<64x256xf32>
    %add3A_1546 = arith.addf %add3A_1541, %add3A_1545 : vector<64x256xf32>
    %lt3A_1547 = arith.cmpf olt, %add3A_1546, %select_n3A_1535 : vector<64x256xf32>
    %select_n3A_1548 = arith.select %lt3A_1547, %add3A_1546, %select_n3A_1535 : vector<64x256xi1>, vector<64x256xf32>
    %jit3A_1549 = arith.constant 118 : i32
    %broadcast_in_dim3A_1550 = vector.broadcast %jit3A_1549 : i32 to vector<64x256xi32>
    %select_n3A_1551 = arith.select %lt3A_1547, %broadcast_in_dim3A_1550, %select_n3A_1538 : vector<64x256xi1>, vector<64x256xi32>
    %slice3A_1552 = vector.extract_strided_slice %dot_general3A_10 {offsets = [7616, 0], sizes = [64, 256], strides = [1, 1]} : vector<8192x256xf32> to vector<64x256xf32>
    %add3A_1553 = vector.broadcast %transpose3A : vector<1x256xf32> to vector<64x256xf32>
    %add3A_1554 = arith.addf %add3A_1553, %slice3A_1552 : vector<64x256xf32>
    %get3A_1555 = arith.constant 7616 : index
    %get3A_1556 = arith.constant 0 : index
    %get3A_1557 = vector.load %arg4[%get3A_1555, %get3A_1556] : memref<8192x1xf32, #tpu.memory_space<vmem>>, vector<64x1xf32>
    %add3A_1558 = vector.broadcast %get3A_1557 : vector<64x1xf32> to vector<64x256xf32>
    %add3A_1559 = arith.addf %add3A_1554, %add3A_1558 : vector<64x256xf32>
    %lt3A_1560 = arith.cmpf olt, %add3A_1559, %select_n3A_1548 : vector<64x256xf32>
    %select_n3A_1561 = arith.select %lt3A_1560, %add3A_1559, %select_n3A_1548 : vector<64x256xi1>, vector<64x256xf32>
    %jit3A_1562 = arith.constant 119 : i32
    %broadcast_in_dim3A_1563 = vector.broadcast %jit3A_1562 : i32 to vector<64x256xi32>
    %select_n3A_1564 = arith.select %lt3A_1560, %broadcast_in_dim3A_1563, %select_n3A_1551 : vector<64x256xi1>, vector<64x256xi32>
    %slice3A_1565 = vector.extract_strided_slice %dot_general3A_10 {offsets = [7680, 0], sizes = [64, 256], strides = [1, 1]} : vector<8192x256xf32> to vector<64x256xf32>
    %add3A_1566 = vector.broadcast %transpose3A : vector<1x256xf32> to vector<64x256xf32>
    %add3A_1567 = arith.addf %add3A_1566, %slice3A_1565 : vector<64x256xf32>
    %get3A_1568 = arith.constant 7680 : index
    %get3A_1569 = arith.constant 0 : index
    %get3A_1570 = vector.load %arg4[%get3A_1568, %get3A_1569] : memref<8192x1xf32, #tpu.memory_space<vmem>>, vector<64x1xf32>
    %add3A_1571 = vector.broadcast %get3A_1570 : vector<64x1xf32> to vector<64x256xf32>
    %add3A_1572 = arith.addf %add3A_1567, %add3A_1571 : vector<64x256xf32>
    %lt3A_1573 = arith.cmpf olt, %add3A_1572, %select_n3A_1561 : vector<64x256xf32>
    %select_n3A_1574 = arith.select %lt3A_1573, %add3A_1572, %select_n3A_1561 : vector<64x256xi1>, vector<64x256xf32>
    %jit3A_1575 = arith.constant 120 : i32
    %broadcast_in_dim3A_1576 = vector.broadcast %jit3A_1575 : i32 to vector<64x256xi32>
    %select_n3A_1577 = arith.select %lt3A_1573, %broadcast_in_dim3A_1576, %select_n3A_1564 : vector<64x256xi1>, vector<64x256xi32>
    %slice3A_1578 = vector.extract_strided_slice %dot_general3A_10 {offsets = [7744, 0], sizes = [64, 256], strides = [1, 1]} : vector<8192x256xf32> to vector<64x256xf32>
    %add3A_1579 = vector.broadcast %transpose3A : vector<1x256xf32> to vector<64x256xf32>
    %add3A_1580 = arith.addf %add3A_1579, %slice3A_1578 : vector<64x256xf32>
    %get3A_1581 = arith.constant 7744 : index
    %get3A_1582 = arith.constant 0 : index
    %get3A_1583 = vector.load %arg4[%get3A_1581, %get3A_1582] : memref<8192x1xf32, #tpu.memory_space<vmem>>, vector<64x1xf32>
    %add3A_1584 = vector.broadcast %get3A_1583 : vector<64x1xf32> to vector<64x256xf32>
    %add3A_1585 = arith.addf %add3A_1580, %add3A_1584 : vector<64x256xf32>
    %lt3A_1586 = arith.cmpf olt, %add3A_1585, %select_n3A_1574 : vector<64x256xf32>
    %select_n3A_1587 = arith.select %lt3A_1586, %add3A_1585, %select_n3A_1574 : vector<64x256xi1>, vector<64x256xf32>
    %jit3A_1588 = arith.constant 121 : i32
    %broadcast_in_dim3A_1589 = vector.broadcast %jit3A_1588 : i32 to vector<64x256xi32>
    %select_n3A_1590 = arith.select %lt3A_1586, %broadcast_in_dim3A_1589, %select_n3A_1577 : vector<64x256xi1>, vector<64x256xi32>
    %slice3A_1591 = vector.extract_strided_slice %dot_general3A_10 {offsets = [7808, 0], sizes = [64, 256], strides = [1, 1]} : vector<8192x256xf32> to vector<64x256xf32>
    %add3A_1592 = vector.broadcast %transpose3A : vector<1x256xf32> to vector<64x256xf32>
    %add3A_1593 = arith.addf %add3A_1592, %slice3A_1591 : vector<64x256xf32>
    %get3A_1594 = arith.constant 7808 : index
    %get3A_1595 = arith.constant 0 : index
    %get3A_1596 = vector.load %arg4[%get3A_1594, %get3A_1595] : memref<8192x1xf32, #tpu.memory_space<vmem>>, vector<64x1xf32>
    %add3A_1597 = vector.broadcast %get3A_1596 : vector<64x1xf32> to vector<64x256xf32>
    %add3A_1598 = arith.addf %add3A_1593, %add3A_1597 : vector<64x256xf32>
    %lt3A_1599 = arith.cmpf olt, %add3A_1598, %select_n3A_1587 : vector<64x256xf32>
    %select_n3A_1600 = arith.select %lt3A_1599, %add3A_1598, %select_n3A_1587 : vector<64x256xi1>, vector<64x256xf32>
    %jit3A_1601 = arith.constant 122 : i32
    %broadcast_in_dim3A_1602 = vector.broadcast %jit3A_1601 : i32 to vector<64x256xi32>
    %select_n3A_1603 = arith.select %lt3A_1599, %broadcast_in_dim3A_1602, %select_n3A_1590 : vector<64x256xi1>, vector<64x256xi32>
    %slice3A_1604 = vector.extract_strided_slice %dot_general3A_10 {offsets = [7872, 0], sizes = [64, 256], strides = [1, 1]} : vector<8192x256xf32> to vector<64x256xf32>
    %add3A_1605 = vector.broadcast %transpose3A : vector<1x256xf32> to vector<64x256xf32>
    %add3A_1606 = arith.addf %add3A_1605, %slice3A_1604 : vector<64x256xf32>
    %get3A_1607 = arith.constant 7872 : index
    %get3A_1608 = arith.constant 0 : index
    %get3A_1609 = vector.load %arg4[%get3A_1607, %get3A_1608] : memref<8192x1xf32, #tpu.memory_space<vmem>>, vector<64x1xf32>
    %add3A_1610 = vector.broadcast %get3A_1609 : vector<64x1xf32> to vector<64x256xf32>
    %add3A_1611 = arith.addf %add3A_1606, %add3A_1610 : vector<64x256xf32>
    %lt3A_1612 = arith.cmpf olt, %add3A_1611, %select_n3A_1600 : vector<64x256xf32>
    %select_n3A_1613 = arith.select %lt3A_1612, %add3A_1611, %select_n3A_1600 : vector<64x256xi1>, vector<64x256xf32>
    %jit3A_1614 = arith.constant 123 : i32
    %broadcast_in_dim3A_1615 = vector.broadcast %jit3A_1614 : i32 to vector<64x256xi32>
    %select_n3A_1616 = arith.select %lt3A_1612, %broadcast_in_dim3A_1615, %select_n3A_1603 : vector<64x256xi1>, vector<64x256xi32>
    %slice3A_1617 = vector.extract_strided_slice %dot_general3A_10 {offsets = [7936, 0], sizes = [64, 256], strides = [1, 1]} : vector<8192x256xf32> to vector<64x256xf32>
    %add3A_1618 = vector.broadcast %transpose3A : vector<1x256xf32> to vector<64x256xf32>
    %add3A_1619 = arith.addf %add3A_1618, %slice3A_1617 : vector<64x256xf32>
    %get3A_1620 = arith.constant 7936 : index
    %get3A_1621 = arith.constant 0 : index
    %get3A_1622 = vector.load %arg4[%get3A_1620, %get3A_1621] : memref<8192x1xf32, #tpu.memory_space<vmem>>, vector<64x1xf32>
    %add3A_1623 = vector.broadcast %get3A_1622 : vector<64x1xf32> to vector<64x256xf32>
    %add3A_1624 = arith.addf %add3A_1619, %add3A_1623 : vector<64x256xf32>
    %lt3A_1625 = arith.cmpf olt, %add3A_1624, %select_n3A_1613 : vector<64x256xf32>
    %select_n3A_1626 = arith.select %lt3A_1625, %add3A_1624, %select_n3A_1613 : vector<64x256xi1>, vector<64x256xf32>
    %jit3A_1627 = arith.constant 124 : i32
    %broadcast_in_dim3A_1628 = vector.broadcast %jit3A_1627 : i32 to vector<64x256xi32>
    %select_n3A_1629 = arith.select %lt3A_1625, %broadcast_in_dim3A_1628, %select_n3A_1616 : vector<64x256xi1>, vector<64x256xi32>
    %slice3A_1630 = vector.extract_strided_slice %dot_general3A_10 {offsets = [8000, 0], sizes = [64, 256], strides = [1, 1]} : vector<8192x256xf32> to vector<64x256xf32>
    %add3A_1631 = vector.broadcast %transpose3A : vector<1x256xf32> to vector<64x256xf32>
    %add3A_1632 = arith.addf %add3A_1631, %slice3A_1630 : vector<64x256xf32>
    %get3A_1633 = arith.constant 8000 : index
    %get3A_1634 = arith.constant 0 : index
    %get3A_1635 = vector.load %arg4[%get3A_1633, %get3A_1634] : memref<8192x1xf32, #tpu.memory_space<vmem>>, vector<64x1xf32>
    %add3A_1636 = vector.broadcast %get3A_1635 : vector<64x1xf32> to vector<64x256xf32>
    %add3A_1637 = arith.addf %add3A_1632, %add3A_1636 : vector<64x256xf32>
    %lt3A_1638 = arith.cmpf olt, %add3A_1637, %select_n3A_1626 : vector<64x256xf32>
    %select_n3A_1639 = arith.select %lt3A_1638, %add3A_1637, %select_n3A_1626 : vector<64x256xi1>, vector<64x256xf32>
    %jit3A_1640 = arith.constant 125 : i32
    %broadcast_in_dim3A_1641 = vector.broadcast %jit3A_1640 : i32 to vector<64x256xi32>
    %select_n3A_1642 = arith.select %lt3A_1638, %broadcast_in_dim3A_1641, %select_n3A_1629 : vector<64x256xi1>, vector<64x256xi32>
    %slice3A_1643 = vector.extract_strided_slice %dot_general3A_10 {offsets = [8064, 0], sizes = [64, 256], strides = [1, 1]} : vector<8192x256xf32> to vector<64x256xf32>
    %add3A_1644 = vector.broadcast %transpose3A : vector<1x256xf32> to vector<64x256xf32>
    %add3A_1645 = arith.addf %add3A_1644, %slice3A_1643 : vector<64x256xf32>
    %get3A_1646 = arith.constant 8064 : index
    %get3A_1647 = arith.constant 0 : index
    %get3A_1648 = vector.load %arg4[%get3A_1646, %get3A_1647] : memref<8192x1xf32, #tpu.memory_space<vmem>>, vector<64x1xf32>
    %add3A_1649 = vector.broadcast %get3A_1648 : vector<64x1xf32> to vector<64x256xf32>
    %add3A_1650 = arith.addf %add3A_1645, %add3A_1649 : vector<64x256xf32>
    %lt3A_1651 = arith.cmpf olt, %add3A_1650, %select_n3A_1639 : vector<64x256xf32>
    %select_n3A_1652 = arith.select %lt3A_1651, %add3A_1650, %select_n3A_1639 : vector<64x256xi1>, vector<64x256xf32>
    %jit3A_1653 = arith.constant 126 : i32
    %broadcast_in_dim3A_1654 = vector.broadcast %jit3A_1653 : i32 to vector<64x256xi32>
    %select_n3A_1655 = arith.select %lt3A_1651, %broadcast_in_dim3A_1654, %select_n3A_1642 : vector<64x256xi1>, vector<64x256xi32>
    %slice3A_1656 = vector.extract_strided_slice %dot_general3A_10 {offsets = [8128, 0], sizes = [64, 256], strides = [1, 1]} : vector<8192x256xf32> to vector<64x256xf32>
    %add3A_1657 = vector.broadcast %transpose3A : vector<1x256xf32> to vector<64x256xf32>
    %add3A_1658 = arith.addf %add3A_1657, %slice3A_1656 : vector<64x256xf32>
    %get3A_1659 = arith.constant 8128 : index
    %get3A_1660 = arith.constant 0 : index
    %get3A_1661 = vector.load %arg4[%get3A_1659, %get3A_1660] : memref<8192x1xf32, #tpu.memory_space<vmem>>, vector<64x1xf32>
    %add3A_1662 = vector.broadcast %get3A_1661 : vector<64x1xf32> to vector<64x256xf32>
    %add3A_1663 = arith.addf %add3A_1658, %add3A_1662 : vector<64x256xf32>
    %lt3A_1664 = arith.cmpf olt, %add3A_1663, %select_n3A_1652 : vector<64x256xf32>
    %select_n3A_1665 = arith.select %lt3A_1664, %add3A_1663, %select_n3A_1652 : vector<64x256xi1>, vector<64x256xf32>
    %jit3A_1666 = arith.constant 127 : i32
    %broadcast_in_dim3A_1667 = vector.broadcast %jit3A_1666 : i32 to vector<64x256xi32>
    %select_n3A_1668 = arith.select %lt3A_1664, %broadcast_in_dim3A_1667, %select_n3A_1655 : vector<64x256xi1>, vector<64x256xi32>
    %reduce_min3A = arith.constant dense<0x7F800000> : vector<256xf32>
    %reduce_min3A_1669 = vector.multi_reduction <minimumf>, %select_n3A_1665, %reduce_min3A [0] : vector<64x256xf32> to vector<256xf32>
    %broadcast_in_dim3A_1670 = vector.shape_cast %reduce_min3A_1669 : vector<256xf32> to vector<1x256xf32>
    %iota3A = tpu.iota {dimensions = array<i32: 0>} : vector<64x256xi32>
    %mul3A_1671 = arith.constant 64 : i32
    %mul3A_1672 = vector.broadcast %mul3A_1671 : i32 to vector<64x256xi32>
    %mul3A_1673 = arith.muli %select_n3A_1668, %mul3A_1672 : vector<64x256xi32>
    %add3A_1674 = arith.addi %mul3A_1673, %iota3A : vector<64x256xi32>
    %eq3A_1675 = vector.broadcast %broadcast_in_dim3A_1670 : vector<1x256xf32> to vector<64x256xf32>
    %eq3A_1676 = arith.cmpf oeq, %select_n3A_1665, %eq3A_1675 : vector<64x256xf32>
    %jit3A_1677 = arith.constant 8192 : i32
    %broadcast_in_dim3A_1678 = vector.broadcast %jit3A_1677 : i32 to vector<64x256xi32>
    %select_n3A_1679 = arith.select %eq3A_1676, %add3A_1674, %broadcast_in_dim3A_1678 : vector<64x256xi1>, vector<64x256xi32>
    %reduce_min3A_1680 = arith.constant dense<2147483647> : vector<256xi32>
    %reduce_min3A_1681 = vector.multi_reduction <minsi>, %select_n3A_1679, %reduce_min3A_1680 [0] : vector<64x256xi32> to vector<256xi32>
    %swap3A = arith.constant 0 : index
    %swap3A_1682 = arith.constant 0 : index
    %swap3A_1683 = arith.constant 0 : index
    %swap3A_1684 = vector.load %arg3[%swap3A, %swap3A_1682, %swap3A_1683] : memref<1x1x256xi32, #tpu.memory_space<vmem>>, vector<1x1x256xi32>
    %swap3A_1685 = vector.shape_cast %swap3A_1684 : vector<1x1x256xi32> to vector<256xi32>
    %swap3A_1686 = vector.shape_cast %reduce_min3A_1681 : vector<256xi32> to vector<1x1x256xi32>
    tpu.vector_store %arg3[%swap3A, %swap3A_1682, %swap3A_1683], %swap3A_1686 {strides = array<i32>} : memref<1x1x256xi32, #tpu.memory_space<vmem>>, vector<1x1x256xi32>,
    return
  }
  func.func @transform_0(%arg0: i32) -> (i32, i32) {
    %c0_i32 = arith.constant 0 : i32
    %c0_i32_0 = arith.constant 0 : i32
    return %arg0, %c0_i32 : i32, i32
  }
  func.func @transform_1(%arg0: i32) -> (i32, i32) {
    %c0_i32 = arith.constant 0 : i32
    %c0_i32_0 = arith.constant 0 : i32
    %c0_i32_1 = arith.constant 0 : i32
    return %c0_i32, %c0_i32_0 : i32, i32
  }
  func.func @transform_2(%arg0: i32) -> (i32, i32, i32) {
    %c0_i32 = arith.constant 0 : i32
    %c0_i32_0 = arith.constant 0 : i32
    %c0_i32_1 = arith.constant 0 : i32
    return %arg0, %c0_i32, %c0_i32_0 : i32, i32, i32
  }
}

</mosaic_0001>

<sc_bundles>
// kernel: kernel.4.cloned.1.call-start
scs
__scs_entry_jumppad:
0x0: {  	(pc) =	sbr.rel $0x88, $3  }
0x1: {  	(tag) =	ssettag $0x0;
	lr =	simm.s32 $0x1  }
0x2: {  	[smem:$0x3F9F] =	sst lr;
	_ =	strace $0xD0000000  }
0x3: {  	_ = 	snop  }
0x4: {  	_ = 	snop  }
0x5: {  	_ = 	snop  }
0x6: {  	_ = 	snop  }
0x7: {  	_ = 	snop  }
__scs_overlays_trampoline_lowered:
0x8: {  	[smem:$0x3FAE] =	sst s0  }
0x9: {  	[smem:$0x3FAF] =	sst s1  }
0xa: {  	[smem:$0x3FB0] =	sst s2  }
0xb: {  	[smem:$0x3FB1] =	sst s3  }
0xc: {  	[smem:$0x3FB2] =	sst s4  }
0xd: {  	[smem:$0x3FB3] =	sst s5  }
0xe: {  	[smem:$0x3FB4] =	sst s6  }
0xf: {  	[smem:$0x3FB5] =	sst s7  }
0x10: {  	[smem:$0x3FB6] =	sst s8  }
0x11: {  	[smem:$0x3FB7] =	sst s9;
	s0 =	simm.s32 @!p0 $0x0  }
0x12: {  	s1 =	sld [smem:$0x3F9D];
	s0 =	simm.s32 @p0 $0x1  }
0x13: {  	[smem:$0x3FB8] =	sst s0;
	s0 =	simm.s32 @!p1 $0x0  }
0x14: {  	s2 =	sld [smem:$0x3F9C];
	s0 =	simm.s32 @p1 $0x1  }
0x15: {  	[smem:$0x3FB9] =	sst s0;
	s0 =	simm.s32 @!p2 $0x0  }
0x16: {  	s3 =	sld [smem:$0x3FDB];
	s0 =	simm.s32 @p2 $0x1  }
0x17: {  	s4 =	simm.s32 $0x1BF5;
	[smem:$0x3FBB] =	sst s0  }
0x18: {  	s0 =	sld [smem:$0x3F9E];
	_ =	swait.ge [sflag:s4], $0x0  }
0x19: {  	s7 =	sld [smem:$0x3F9F]  }
0x1a: {  	s8 =	sadd.s32 $0xFFFFE003, lr  }
0x1b: {  	s9 =	sadd.s32 $0xFFFFFEF7, lr;
	s5 =	simm.s32 $0xFFFFFFFF;
	p2 =	slt.u32 s8, $0xFFFFF086  }
0x1c: {  	p1 =	slt.u32 s9, $0xF7A;
	s5 =	simm.s32 @!p2 $0x0  }
0x1d: {  	s5 =	simm.s32 @p1 $0x1;
	p0 =	seq.s32 s7, s2  }
0x1e: {  	s7 =	smul.u32 @!p0 $0xF7A, s2;
	p2 =	seq.s32 @!p0 s5, $0x0  }
0x1f: {  	s9 =	smul.u32 $0xF7A, s1;
	s8 =	simm.s32 @!p0 $0x1BF5;
	p2 =	por !p2, p0  }
0x20: {  	[sflag:s8] =	ssyncset.s32 @!p0 $0xFFFFF086;
	s6 =	sadd.s32 @!p0 s3, s7;
	s7 =	simm.s32 @!p0 $0x108  }
0x21: {  	s3 =	sadd.s32 s3, s9;
	s6 =	sadd.s32 @!p0 $0x88, s6;
	s7 =	simm.s32 @p2 $0x1082  }
0x22: {  	[simem:s7], [sflag:s8] =	dma.local @!p0 [hbm:s6], $0xF7A  }
0x23: {  	s9 =	sor.u32 $0xD0000000, s2;
	s6 =	simm.s32 $0x108;
	_ =	swait.ge @!p0 [sflag:s8], $0x0  }
0x24: {  	s3 =	sadd.s32 $0x88, s3;
	s6 =	simm.s32 @!p1 $0x1082;
	[sflag:s4] =	ssyncset.s32 $0xFFFFF086  }
0x25: {  	[simem:s6], [sflag:s4] =	dma.local [hbm:s3], $0xF7A  }
0x26: {  	[smem:$0x3F9F] =	sst s1;
	(tag) =	ssettag s2;
	_ =	strace s9  }
0x27: {  	s1 =	sld [smem:$0x3FAF]  }
0x28: {  	s2 =	sld [smem:$0x3FB0]  }
0x29: {  	s4 =	sld [smem:$0x3FB2]  }
0x2a: {  	p0 =	seq.s32 s5, $0x0;
	s5 =	sld [smem:$0x3FB3]  }
0x2b: {  	s6 =	sld [smem:$0x3FB4]  }
0x2c: {  	s7 =	sld [smem:$0x3FB5]  }
0x2d: {  	s3 =	simm.s32 $0x108;
	s8 =	sld [smem:$0x3FB6]  }
0x2e: {  	s3 =	simm.s32 @!p0 $0x1082;
	s9 =	sld [smem:$0x3FB7]  }
0x2f: {  	lr =	sadd.s32 s0, s3;
	s0 =	sld [smem:$0x3FAE]  }
0x30: {  	s3 =	sld [smem:$0x3FB1]  }
0x31: {  	[smem:$0x3FBA] =	sst s10  }
0x32: {  	s10 =	sld [smem:$0x3FB8];
	_ =	sdelay $0x3  }
0x33: {  	p0 =	seq.s32 s10, $0x1;
	s10 =	sld [smem:$0x3FBA];
	_ =	sdelay $0x3  }
0x34: {  	[smem:$0x3FBA] =	sst s10  }
0x35: {  	s10 =	sld [smem:$0x3FB9];
	_ =	sdelay $0x3  }
0x36: {  	p1 =	seq.s32 s10, $0x1;
	s10 =	sld [smem:$0x3FBA];
	_ =	sdelay $0x3  }
0x37: {  	[smem:$0x3FBA] =	sst s10  }
0x38: {  	s10 =	sld [smem:$0x3FBB]  }
0x39: {  	_ = 	snop;
	(pc) =	sbr.ind lr, $3  }
0x3a: {  	_ = 	snop  }
0x3b: {  	_ = 	snop  }
0x3c: {  	p2 =	seq.s32 s10, $0x1;
	s10 =	sld [smem:$0x3FBA]  }
0x3d: {  	_ =	shalt  }
0x3e: {  	_ =	shalt  }
0x3f: {  	_ =	shalt  }
0x40: {  	_ =	shalt  }
0x41: {  	_ =	shalt  }
0x42: {  	_ =	shalt  }
0x43: {  	_ =	shalt  }
0x44: {  	_ =	shalt  }
0x45: {  	_ =	shalt  }
0x46: {  	_ =	shalt  }
0x47: {  	_ =	shalt  }
0x48: {  	_ =	shalt  }
0x49: {  	_ =	shalt  }
0x4a: {  	_ =	shalt  }
0x4b: {  	_ =	shalt  }
0x4c: {  	_ =	shalt  }
0x4d: {  	_ =	shalt  }
0x4e: {  	_ =	shalt  }
0x4f: {  	_ =	shalt  }
0x50: {  	_ =	shalt  }
0x51: {  	_ =	shalt  }
0x52: {  	_ =	shalt  }
0x53: {  	_ =	shalt  }
0x54: {  	_ =	shalt  }
0x55: {  	_ =	shalt  }
0x56: {  	_ =	shalt  }
0x57: {  	_ =	shalt  }
0x58: {  	_ =	shalt  }
0x59: {  	_ =	shalt  }
0x5a: {  	_ =	shalt  }
0x5b: {  	_ =	shalt  }
0x5c: {  	_ =	shalt  }
0x5d: {  	_ =	shalt  }
0x5e: {  	_ =	shalt  }
0x5f: {  	_ =	shalt  }
0x60: {  	_ =	shalt  }
0x61: {  	_ =	shalt  }
0x62: {  	_ =	shalt  }
0x63: {  	_ =	shalt  }
0x64: {  	_ =	shalt  }
0x65: {  	_ =	shalt  }
0x66: {  	_ =	shalt  }
0x67: {  	_ =	shalt  }
0x68: {  	_ =	shalt  }
0x69: {  	_ =	shalt  }
0x6a: {  	_ =	shalt  }
0x6b: {  	_ =	shalt  }
0x6c: {  	_ =	shalt  }
0x6d: {  	_ =	shalt  }
0x6e: {  	_ =	shalt  }
0x6f: {  	_ =	shalt  }
0x70: {  	_ =	shalt  }
0x71: {  	_ =	shalt  }
0x72: {  	_ =	shalt  }
0x73: {  	_ =	shalt  }
0x74: {  	_ =	shalt  }
0x75: {  	_ =	shalt  }
0x76: {  	_ =	shalt  }
0x77: {  	_ =	shalt  }
0x78: {  	_ =	shalt  }
0x79: {  	_ =	shalt  }
0x7a: {  	_ =	shalt  }
0x7b: {  	_ =	shalt  }
0x7c: {  	_ =	shalt  }
0x7d: {  	_ =	shalt  }
0x7e: {  	_ =	shalt  }
0x7f: {  	_ =	shalt  }
0x80: {  	_ =	shalt  }
0x81: {  	_ =	shalt  }
0x82: {  	_ =	shalt  }
0x83: {  	_ =	shalt  }
0x84: {  	_ =	shalt  }
0x85: {  	_ =	shalt  }
0x86: {  	_ =	shalt  }
0x87: {  	_ =	shalt  }
.Lfunc_end0:
.L_simem_size_0:
called_computation_lowered:
.L_overlay_start_0:
0x88: {  	s2 =	sld [smem:$0x3FD9]  }
0x89: {  	s3 =	sld [smem:$0x3FFE];
	_ =	sdelay $0x1  }
0x8a: {  	s1 =	srdreg.scid  }
0x8b: {  	s0 =	sand.u32 $0x1, s1  }
0x8c: {  	s15 =	sshll.u32 s0, $0xA;
	s2 =	sadd.s32 s3, s2  }
0x8d: {  	s2 =	sadd.s32 s2, s15  }
0x8e: {  	[smem:$0x3FC6] =	sst s2  }
0x8f: {  	_ = 	snop  }
0x90: {  	s2 =	sld [smem:$0x3FD0];
	_ =	sdelay $0x2  }
0x91: {  	s4 =	simm.s32 $0xA;
	s5 =	simm.s32 $0x10;
	s16 =	sld [smem:$0x3FC8]  }
0x92: {  	[smem:s5], [sflag:s4] =	dma.local [hbm:s2], $0x1  }
0x93: {  	_ =	swait.eq [sflag:s4], $0x1  }
0x94: {  	[sflag:s4] =	ssyncset.done $0x0  }
0x95: {  	s17 =	sld [smem:$0x10];
	[sflag:s4] =	ssyncadd.s32 $0xFFFFFFFF  }
0x96: {  	s18 =	sld [smem:$0x11];
	(tm) =	ssettm $0x1  }
0x97: {  	s19 =	sld [smem:$0x3FFB];
	_ =	sdelay $0x3  }
0x98: {  	_ =	strace s19  }
0x99: {  	s5 =	sld [smem:$0x3FFC];
	_ =	sdelay $0x3  }
0x9a: {  	_ =	strace s5  }
0x9b: {  	s5 =	sld [smem:$0x3FFD];
	_ =	sdelay $0x3  }
0x9c: {  	_ =	strace s5  }
0x9d: {  	_ =	strace $0x8FFFFFFF  }
0x9e: {  	s20 =	sld [smem:$0x3FDB];
	_ =	sdelay $0x1  }
0x9f: {  	s6 =	simm.s32 $_scs_section_size  }
0xa0: {  	s7 =	simm.s32 $_size__tile_overlayer_lowered;
	s8 =	simm.s32 $_tile_overlayer_lowered  }
0xa1: {  	s23 =	simm.s32 $0x1BFF;
	s22 =	sshll.u32 s8, $0x1;
	s5 =	sadd.s32 s6, s20  }
0xa2: {  	s9 =	simm.s32 $0x0;
	s21 =	sshll.u32 s7, $0x1;
	s7 =	sadd.s32 s22, s5  }
0xa3: {  	[timem:s9], [sflag:s23] =	dma.local [hbm:s7], s21  }
0xa4: {  	_ =	swait.ge [sflag:s23], s21  }
0xa5: {  	s6 =	ssub.s32 $0x0, s21;
	[sflag:s23] =	ssyncset.done $0x0  }
0xa6: {  	[sflag:s23] =	ssyncadd.s32 s6;
	_ =	sdelay $0x1  }
0xa7: {  	s24 =	simm.s32 $0x1B8B  }
0xa8: {  	_ =	swait.ge [sflag:s24], $0x1  }
0xa9: {  	[sflag:s24] =	ssyncset.done $0x0  }
0xaa: {  	s25 =	simm.s32 $0x1B8E;
	[sflag:s24] =	ssyncadd.s32 $0xFFFFFFFF  }
0xab: {  	s26 =	simm.s32 $execute0_lowered;
	[smem:$0x3FD2] =	sst s25  }
0xac: {  	s6 =	sshll.u32 s26, $0x1;
	_ =	strace $0x80000046;
	[dreg:$0x1] =	wrdreg $0xFFFFFFFF  }
0xad: {  	s28 =	simm.s32 $_size_execute0_lowered;
	s5 =	sadd.s32 s5, s6;
	[dreg:$0x0] =	wrdreg $0x0  }
0xae: {  	s6 =	sshll.u32 s28, $0x1;
	[dreg:$0x2] =	wrdreg s5  }
0xaf: {  	[dreg:$0x3] =	wrdreg s6  }
0xb0: {  	[dreg:$0x4] =	wrdreg $0xC0  }
0xb1: {  	_ =	task [dreg:s9], $0x5FFFF  }
0xb2: {  	[dreg:$0x1] =	wrdreg $0xFFFFFFFF  }
0xb3: {  	[dreg:$0x0] =	wrdreg $0x60  }
0xb4: {  	[dreg:$0x2] =	wrdreg s16  }
0xb5: {  	[dreg:$0x3] =	wrdreg s18  }
0xb6: {  	[dreg:$0x4] =	wrdreg s17  }
0xb7: {  	[dreg:$0x5] =	wrdreg $0x9  }
0xb8: {  	_ =	task.clear_ibuf [dreg:s9], $0x6FFFF;
	_ =	strace $0x90000046  }
0xb9: {  	s29 =	simm.s32 $0x9;
	_ =	strace $0x8000004F  }
0xba: {  	_ =	swait.ge [sflag:s29], $0x1  }
0xbb: {  	[sflag:s29] =	ssyncadd.s32 $0xFFFFFFFF  }
0xbc: {  	_ =	strace $0x9000004F  }
0xbd: {  	_ =	sfence  }
0xbe: {  	s30 =	sld [smem:$0x0];
	_ =	sdelay $0x2  }
0xbf: {  	s31 =	sshll.u32 s1, $0xD;
	s1 =	sshrl.u32 s1, $0x2  }
0xc0: {  	s3 =	sand.u32 $0x4000, s31;
	s1 =	sadd.s32 s1, s30  }
0xc1: {  	s0 =	sor.u32 s3, s0;
	s1 =	sshll.u32 s1, $0x11  }
0xc2: {  	s0 =	sor.u32 s1, s0  }
0xc3: {  	s0 =	sadd.s32 $0x8F2B, s0  }
0xc4: {  	[sflag:s0] =	ssyncadd.remote.s32 $0x1  }
0xc5: {  	_ =	sfence.sel $0xFFFF  }
0xc6: {  	[dreg:$0x0] =	wrdreg $0xFFFFFFFF;
	(pc) =	sbr.abs _section_cstart, $3  }
0xc7: {  	[dreg:$0x1] =	wrdreg $0xFFFFFFFF  }
0xc8: {  	_ =	task.clear_ibuf [dreg:s9], $0x2FFFF;
	_ =	strace $0x9FFFFFFF  }
0xc9: {  	(tm) =	ssettm $0x7FFFFFFF  }
tec
execute0_lowered:
.L_overlay_start_1:
0x0: {  	(tag) =	ssettag $0x1  }
0x1: {  	s1 =	rddreg [dreg:$0x0]  }
0x2: {  	s2 =	rddreg [dreg:$0x1]  }
0x3: {  	s0 =	rddreg [dreg:$0x2];
	s3 =	srdreg.scid;
	s4 =	simm.s32 $0x0  }
0x4: {  	s8 =	simm.s32 $0x5;
	s9 =	simm.s32 $0x4;
	[dreg:$0x4] =	wrdreg s0  }
0x5: {  	s10 =	simm.s32 $0x0;
	s0 =	rddreg [dreg:$0x3];
	s5 =	sand.u32 $0x1, s3  }
0x6: {  	s3 =	stileid.u32;
	s6 =	ssub.s32 $0x2, s5;
	s5 =	sshll.u32 s5, $0x4  }
0x7: {  	v2 =	vlaneseq.u32;
	[smem:$0x7FF] =	sst s4;
	s7 =	sshrl.u32 s6, $0x1;
	s5 =	sor.u32 s3, s5  }
0x8: {  	vm0 =	vmmov $0xffff;
	v1 =	vshrl.u32 v2, $0x3;
	_ =	strace $0x80000047;
	s7 =	ssub.s32 s6, s7;
	s31 =	sshll.u32 s5, $0x6  }
0x9: {  	v0 =	vand.u32 $0x7, v2;
	v2 =	vor.u32 $0x8, v2;
	v1 =	vmul.u32 $0x8, v1;
	s5 =	sshll.u32 s5, $0x2;
	s6 =	sadd.s32 s2, s31;
	s7 =	smax.u32 s7, $0x1  }
.LBB2_1:
0xa: {  	_ =	strace $0x80000048;
	s11 =	simm.s32 $0x4  }
0xb: {  	s12 =	simm.s32 $0x0;
	s13 =	simm.s32 $0x0;
	s14 =	simm.s32 $0x0  }
0xc: {  	[tilespmem:s4], [sflag:$0x1] =	stream.linear.gather [hbm4b:s6+s4], $0x80, $0x200038;
	[tilespmem:$0x10100] =	vst v63  }
0xd: {  	s15 =	simm.s32 $0x0;
	s16 =	simm.s32 $0x1;
	_ =	strace $0x90000048  }
.LBB2_2:
0xe: {  	s17 =	smov.u32 s12;
	s12 =	sadd.s32 $0x1, s12  }
0xf: {  	p0 =	seq.s32 s12, $0x4  }
0x10: {  	s12 =	simm.s32 @p0 $0x0  }
0x11: {  	p6 =	sne.s32 s11, $0x1;
	p1 =	sne.s32 s17, s12  }
0x12: {  	p0 =	por !p6, !p1  }
0x13: {  	p0 =	por !p0, !p0  }
0x14: {  	s18 =	sadd.s32 @p0 s5, s12  }
0x15: {  	s19 =	sand.u32 @p0 $0x1, s16;
	s18 =	sshll.u32 @p0 s18, $0x4  }
0x16: {  	_ =	strace @p0 $0x80000049;
	s21 =	simm.s32 @p0 $0x0;
	s18 =	sand.u32 @p0 $0x1FFFFFF0, s18  }
0x17: {  	s20 =	sshll.u32 @p0 s19, $0x7;
	s19 =	sadd.s32 @p0 $0x1, s19;
	s18 =	sadd.s32 @p0 s2, s18  }
0x18: {  	[tilespmem:s20], [sflag:s19] =	stream.linear.gather @p0 [hbm4b:s18+s21], $0x80, $0x200038;
	[tilespmem:$0x10100] =	vst v63  }
0x19: {  	s24 =	sand.u32 $0x1, s15;
	_ =	strace @p0 $0x90000049  }
0x1a: {  	s18 =	sadd.s32 $0x1, s24;
	_ =	strace $0x8000004A  }
0x1b: {  	_ =	swait.ge [sflag:s18], $0x80  }
0x1c: {  	[sflag:s18] =	ssyncset.done $0x0  }
0x1d: {  	[sflag:s18] =	ssyncadd.s32 $0xFFFFFF80  }
0x1e: {  	s25 =	sshll.u32 s15, $0x7;
	_ =	strace $0x9000004A  }
0x1f: {  	s21 =	sand.u32 $0x80, s25;
	_ =	strace $0x8000004B  }
0x20: {  	v3 =	vld [tilespmem:s21+$0x0];
	_ =	sdelay $0x4  }
0x21: {  	v4 =	vshll.u32 v3, $0x1  }
0x22: {  	v3 =	vand.u32 $0x7, v3;
	v4 =	vand.u32 $0xFFFFFFF0, v4  }
0x23: {  	v3 =	vor.u32 v3, v4  }
0x24: {  	v4 =	vperm.xlane v3, v0;
	_ =	sdelay $0x1  }
0x25: {  	v3 =	vperm.xlane v3, v2;
	v4 =	vadd.s32 v1, v4;
	_ =	sdelay $0x1  }
0x26: {  	s18 =	sand.u32 $0x1, s14;
	v3 =	vadd.s32 v1, v3  }
0x27: {  	s20 =	sshll.u32 s18, $0xF  }
0x28: {  	s19 =	sor.u32 $0x100, s20  }
0x29: {  	[tilespmem:s19], [sflag:$0x5] =	stream.indirect_vreg.gather [hbm4b:s1+s4], $0x80, v4, vm0, $0x2000b8;
	[tilespmem:$0x10100] =	vst v63  }
0x2a: {  	s22 =	sor.u32 $0x900, s20  }
0x2b: {  	[tilespmem:s22], [sflag:$0x5] =	stream.indirect_vreg.gather [hbm4b:s1+s4], $0x80, v3, vm0, $0x2000b8;
	[tilespmem:$0x10100] =	vst v63  }
0x2c: {  	v3 =	vld [tilespmem:s21+$0x10];
	_ =	sdelay $0x4  }
0x2d: {  	v57 =	vshll.u32 v3, $0x1  }
0x2e: {  	v3 =	vand.u32 $0x7, v3;
	v4 =	vand.u32 $0xFFFFFFF0, v57  }
0x2f: {  	v3 =	vor.u32 v3, v4  }
0x30: {  	v4 =	vperm.xlane v3, v0;
	_ =	sdelay $0x1  }
0x31: {  	v3 =	vperm.xlane v3, v2;
	v4 =	vadd.s32 v1, v4;
	_ =	sdelay $0x1  }
0x32: {  	v3 =	vadd.s32 v1, v3;
	_ =	sdelay $0x1  }
0x33: {  	s26 =	sor.u32 $0x1100, s20  }
0x34: {  	[tilespmem:s26], [sflag:$0x5] =	stream.indirect_vreg.gather [hbm4b:s1+s4], $0x80, v4, vm0, $0x2000b8;
	[tilespmem:$0x10100] =	vst v63  }
0x35: {  	s28 =	sor.u32 $0x1900, s20  }
0x36: {  	[tilespmem:s28], [sflag:$0x5] =	stream.indirect_vreg.gather [hbm4b:s1+s4], $0x80, v3, vm0, $0x2000b8;
	[tilespmem:$0x10100] =	vst v63  }
0x37: {  	v3 =	vld [tilespmem:s21+$0x20];
	_ =	sdelay $0x4  }
0x38: {  	v58 =	vshll.u32 v3, $0x1  }
0x39: {  	v3 =	vand.u32 $0x7, v3;
	v4 =	vand.u32 $0xFFFFFFF0, v58  }
0x3a: {  	v3 =	vor.u32 v3, v4  }
0x3b: {  	v4 =	vperm.xlane v3, v0;
	_ =	sdelay $0x1  }
0x3c: {  	v3 =	vperm.xlane v3, v2;
	v4 =	vadd.s32 v1, v4;
	_ =	sdelay $0x1  }
0x3d: {  	v3 =	vadd.s32 v1, v3;
	_ =	sdelay $0x1  }
0x3e: {  	s29 =	sor.u32 $0x2100, s20  }
0x3f: {  	[tilespmem:s29], [sflag:$0x5] =	stream.indirect_vreg.gather [hbm4b:s1+s4], $0x80, v4, vm0, $0x2000b8;
	[tilespmem:$0x10100] =	vst v63  }
0x40: {  	s30 =	sor.u32 $0x2900, s20  }
0x41: {  	[tilespmem:s30], [sflag:$0x5] =	stream.indirect_vreg.gather [hbm4b:s1+s4], $0x80, v3, vm0, $0x2000b8;
	[tilespmem:$0x10100] =	vst v63  }
0x42: {  	v3 =	vld [tilespmem:s21+$0x30];
	_ =	sdelay $0x4  }
0x43: {  	v59 =	vshll.u32 v3, $0x1  }
0x44: {  	v3 =	vand.u32 $0x7, v3;
	v4 =	vand.u32 $0xFFFFFFF0, v59  }
0x45: {  	v3 =	vor.u32 v3, v4  }
0x46: {  	v4 =	vperm.xlane v3, v0;
	_ =	sdelay $0x1  }
0x47: {  	v3 =	vperm.xlane v3, v2;
	v4 =	vadd.s32 v1, v4;
	_ =	sdelay $0x1  }
0x48: {  	v3 =	vadd.s32 v1, v3;
	_ =	sdelay $0x1  }
0x49: {  	s31 =	sor.u32 $0x3100, s20  }
0x4a: {  	[tilespmem:s31], [sflag:$0x5] =	stream.indirect_vreg.gather [hbm4b:s1+s4], $0x80, v4, vm0, $0x2000b8;
	[tilespmem:$0x10100] =	vst v63  }
0x4b: {  	s23 =	sor.u32 $0x3900, s20  }
0x4c: {  	[tilespmem:s23], [sflag:$0x5] =	stream.indirect_vreg.gather [hbm4b:s1+s4], $0x80, v3, vm0, $0x2000b8;
	[tilespmem:$0x10100] =	vst v63  }
0x4d: {  	v3 =	vld [tilespmem:s21+$0x40];
	_ =	sdelay $0x4  }
0x4e: {  	v60 =	vshll.u32 v3, $0x1  }
0x4f: {  	v3 =	vand.u32 $0x7, v3;
	v4 =	vand.u32 $0xFFFFFFF0, v60  }
0x50: {  	v3 =	vor.u32 v3, v4  }
0x51: {  	v4 =	vperm.xlane v3, v0;
	_ =	sdelay $0x1  }
0x52: {  	v3 =	vperm.xlane v3, v2;
	v4 =	vadd.s32 v1, v4;
	_ =	sdelay $0x1  }
0x53: {  	v3 =	vadd.s32 v1, v3;
	_ =	sdelay $0x1  }
0x54: {  	s24 =	sor.u32 $0x4100, s20  }
0x55: {  	[tilespmem:s24], [sflag:$0x5] =	stream.indirect_vreg.gather [hbm4b:s1+s4], $0x80, v4, vm0, $0x2000b8;
	[tilespmem:$0x10100] =	vst v63  }
0x56: {  	s25 =	sor.u32 $0x4900, s20  }
0x57: {  	[tilespmem:s25], [sflag:$0x5] =	stream.indirect_vreg.gather [hbm4b:s1+s4], $0x80, v3, vm0, $0x2000b8;
	[tilespmem:$0x10100] =	vst v63  }
0x58: {  	v3 =	vld [tilespmem:s21+$0x50];
	_ =	sdelay $0x4  }
0x59: {  	v61 =	vshll.u32 v3, $0x1  }
0x5a: {  	v3 =	vand.u32 $0x7, v3;
	v4 =	vand.u32 $0xFFFFFFF0, v61  }
0x5b: {  	v3 =	vor.u32 v3, v4  }
0x5c: {  	v4 =	vperm.xlane v3, v0;
	_ =	sdelay $0x1  }
0x5d: {  	v3 =	vperm.xlane v3, v2;
	v4 =	vadd.s32 v1, v4;
	_ =	sdelay $0x1  }
0x5e: {  	v3 =	vadd.s32 v1, v3;
	_ =	sdelay $0x1  }
0x5f: {  	s26 =	sor.u32 $0x5100, s20  }
0x60: {  	[tilespmem:s26], [sflag:$0x5] =	stream.indirect_vreg.gather [hbm4b:s1+s4], $0x80, v4, vm0, $0x2000b8;
	[tilespmem:$0x10100] =	vst v63  }
0x61: {  	s28 =	sor.u32 $0x5900, s20  }
0x62: {  	[tilespmem:s28], [sflag:$0x5] =	stream.indirect_vreg.gather [hbm4b:s1+s4], $0x80, v3, vm0, $0x2000b8;
	[tilespmem:$0x10100] =	vst v63  }
0x63: {  	v3 =	vld [tilespmem:s21+$0x60];
	_ =	sdelay $0x4  }
0x64: {  	v62 =	vshll.u32 v3, $0x1  }
0x65: {  	v3 =	vand.u32 $0x7, v3;
	v4 =	vand.u32 $0xFFFFFFF0, v62  }
0x66: {  	v3 =	vor.u32 v3, v4  }
0x67: {  	v4 =	vperm.xlane v3, v0;
	_ =	sdelay $0x1  }
0x68: {  	v3 =	vperm.xlane v3, v2;
	v4 =	vadd.s32 v1, v4;
	_ =	sdelay $0x1  }
0x69: {  	v3 =	vadd.s32 v1, v3;
	_ =	sdelay $0x1  }
0x6a: {  	s29 =	sor.u32 $0x6100, s20  }
0x6b: {  	[tilespmem:s29], [sflag:$0x5] =	stream.indirect_vreg.gather [hbm4b:s1+s4], $0x80, v4, vm0, $0x2000b8;
	[tilespmem:$0x10100] =	vst v63  }
0x6c: {  	s30 =	sor.u32 $0x6900, s20  }
0x6d: {  	[tilespmem:s30], [sflag:$0x5] =	stream.indirect_vreg.gather [hbm4b:s1+s4], $0x80, v3, vm0, $0x2000b8;
	[tilespmem:$0x10100] =	vst v63  }
0x6e: {  	v3 =	vld [tilespmem:s21+$0x70];
	_ =	sdelay $0x4  }
0x6f: {  	v63 =	vshll.u32 v3, $0x1  }
0x70: {  	v3 =	vand.u32 $0x7, v3;
	v4 =	vand.u32 $0xFFFFFFF0, v63  }
0x71: {  	v3 =	vor.u32 v3, v4  }
0x72: {  	v4 =	vperm.xlane v3, v0;
	_ =	sdelay $0x1  }
0x73: {  	v3 =	vperm.xlane v3, v2;
	v4 =	vadd.s32 v1, v4;
	_ =	sdelay $0x1  }
0x74: {  	v3 =	vadd.s32 v1, v3;
	_ =	sdelay $0x1  }
0x75: {  	s31 =	sor.u32 $0x7100, s20  }
0x76: {  	[tilespmem:s31], [sflag:$0x5] =	stream.indirect_vreg.gather [hbm4b:s1+s4], $0x80, v4, vm0, $0x2000b8;
	[tilespmem:$0x10100] =	vst v63  }
0x77: {  	s20 =	sor.u32 $0x7900, s20  }
0x78: {  	[tilespmem:s20], [sflag:$0x5] =	stream.indirect_vreg.gather [hbm4b:s1+s4], $0x80, v3, vm0, $0x2000b8;
	[tilespmem:$0x10100] =	vst v63  }
0x79: {  	_ =	swait.ge [sflag:s8], $0x8000  }
0x7a: {  	p2 =	seq.s32 s11, $0x1;
	[sflag:s8] =	ssyncset.done $0x0  }
0x7b: {  	s17 =	sadd.s32 s5, s17;
	p1 =	por p2, p1;
	[sflag:s8] =	ssyncadd.s32 $0xFFFF8000  }
0x7c: {  	s17 =	sshll.u32 @p1 s17, $0xC;
	_ =	strace $0x9000004B  }
0x7d: {  	s17 =	sand.u32 @p1 $0x1FFFF000, s17;
	s21 =	simm.s32 $0x1;
	_ =	strace @p1 $0x8000004C  }
0x7e: {  	s18 =	sadd.s32 @p1 $0x3, s18;
	s21 =	simm.s32 @!p0 $0x0;
	s20 =	rddreg [dreg:$0x4]  }
0x7f: {  	p0 =	seq.s32 s11, $0x4;
	s17 =	sadd.s32 @p1 s20, s17;
	s20 =	simm.s32 @p1 $0x0  }
0x80: {  	[hbm4b:s17+s20] =	stream.linear.scatter @p1 [tilespmem:s19], [sflag:s18], $0x8000, $0x200038;
	[tilespmem:$0x10100] =	vst v63  }
0x81: {  	s17 =	simm.s32 $0x1;
	s19 =	simm.s32 $0x1;
	_ =	strace @p1 $0x9000004C  }
0x82: {  	s17 =	simm.s32 @!p1 $0x0;
	p1 =	sne.s32 s11, $0x4;
	s11 =	sadd.s32 $0xFFFFFFFF, s11  }
0x83: {  	s18 =	sand.u32 @!p0 $0x1, s13;
	s19 =	simm.s32 @!p1 $0x0;
	p1 =	sne.s32 s11, $0x0  }
.Ltmp0:
0x84: {  	s18 =	sadd.s32 @!p0 $0x3, s18;
	_ =	strace @!p0 $0x8000004D;
	(pc) =	sbr.rel @p1 .LBB2_2-.Ltmp0, $4  }
0x85: {  	_ =	swait.ge @!p0 [sflag:s18], $0x8000  }
0x86: {  	[sflag:s18] =	ssyncset.done @!p0 $0x0  }
0x87: {  	s16 =	sadd.s32 s21, s16;
	s14 =	sadd.s32 s17, s14;
	[sflag:s18] =	ssyncadd.s32 @!p0 $0xFFFF8000  }
0x88: {  	s15 =	sadd.s32 s17, s15;
	s13 =	sadd.s32 s19, s13;
	_ =	strace @!p0 $0x9000004D  }
0x89: {  	s10 =	sadd.s32 $0x1, s10  }
0x8a: {  	p0 =	sne.s32 s10, s7  }
.Ltmp1:
0x8b: {  	_ =	strace $0x8000004E;
	(pc) =	sbr.rel @p0 .LBB2_1-.Ltmp1, $4  }
0x8c: {  	_ =	swait.ge [sflag:s9], $0x8000  }
0x8d: {  	[sflag:s9] =	ssyncset.done $0x0  }
0x8e: {  	[sflag:s9] =	ssyncadd.s32 $0xFFFF8000  }
0x8f: {  	_ =	strace $0x9000004E  }
0x90: {  	_ =	sfence.sel $0x180000  }
0x91: {  	[bflag:$0x0] =	sbarrier.arrive $0xFFFF  }
0x92: {  	p0 =	sne.s32 s3, $0x0;
	_ =	strace $0x90000047  }
0x93: {  	s0 =	sadd.s32 @!p0 $0x100000, s0;
	[bflag:$0x2] =	sbarrier.arrive $0xFFFF  }
0x94: {  	[sflag:s0] =	ssyncadd.tile.s32 @!p0 $0x1;
	_ =	shalt  }
.Lfunc_end2:
_tile_overlayer_lowered:
.L_overlay_start_2:
0x95: {  	(tag) =	ssettag $0x2  }
0x96: {  	s0 =	rddreg [dreg:$0x0];
	s2 =	stileid.u32  }
0x97: {  	s1 =	rddreg [dreg:$0x1];
	p0 =	sne.s32 s2, $0x0  }
0x98: {  	s3 =	rddreg [dreg:$0x2];
	[bflag:$0x3] =	sbarrier.arrive $0xFFFF;
	s2 =	simm.s32 @!p0 $0x1C01  }
0x99: {  	[timem:s3], [sflag:s2] =	dma.local @!p0 [hbm:s0], s1  }
0x9a: {  	s0 =	simm.s32 @!p0 $0x1  }
0x9b: {  	_ =	swait.ge @!p0 [sflag:s0], s1  }
0x9c: {  	s1 =	ssub.s32 @!p0 $0x0, s1;
	[sflag:s0] =	ssyncset.done @!p0 $0x0  }
0x9d: {  	[sflag:s0] =	ssyncadd.s32 @!p0 s1  }
0x9e: {  	[bflag:$0x3] =	sbarrier.arrive $0xFFFF  }
0x9f: {  	_ =	shalt  }

</sc_bundles>
